<compile_context>
chip_gen: v7x
topology: tpu7x:2x2x1
jax: 0.10.2.dev20260603
libtpu: 0.0.44.dev20260713+nightly
codegen_flags: <defaults>
</compile_context>

<pallas_src>
import functools

import jax
import jax.numpy as jnp
from jax import lax
from jax.experimental import pallas as pl
from jax.experimental.pallas import tpu as pltpu
from jax.experimental.pallas import tpu_sc as plsc

_B = 16384
_NW = 16
_CH = 128
_NCH = _B // (_NW * _CH)


def _gather_body(table_hbm, idx_hbm, out_hbm, idx_v, rows_v, *sems):
    wid = lax.axis_index("s") + lax.axis_index("c") * 16
    sem_i = sems[:_NCH]
    sem_g = sems[_NCH:2 * _NCH]
    sem_o = sems[2 * _NCH:]
    idx_cp = [
        pltpu.async_copy(idx_hbm.at[wid, j], idx_v.at[j], sem_i[j])
        for j in range(_NCH)
    ]
    gather_cp = []
    for j in range(_NCH):
        idx_cp[j].wait()
        gather_cp.append(
            pltpu.async_copy(table_hbm.at[idx_v.at[j]], rows_v.at[j], sem_g[j])
        )
    out_cp = []
    for j in range(_NCH):
        gather_cp[j].wait()
        out_cp.append(
            pltpu.async_copy(rows_v.at[j], out_hbm.at[wid, j], sem_o[j])
        )
    for c in out_cp:
        c.wait()


@jax.jit
def _sc_gather(table, idx):
    return pl.kernel(
        _gather_body,
        out_type=jax.ShapeDtypeStruct((_NW, _NCH, _CH), jnp.float32),
        mesh=plsc.VectorSubcoreMesh(
            core_axis_name="c", subcore_axis_name="s", num_cores=1
        ),
        scratch_types=[
            pltpu.VMEM((_NCH, _CH), jnp.int32),
            pltpu.VMEM((_NCH, _CH), jnp.float32),
        ] + [pltpu.SemaphoreType.DMA] * (3 * _NCH),
    )(table, idx)


def kernel(x, kernel):
    idx = x.reshape(_NW, _NCH, _CH)
    table = kernel.reshape(-1)
    out = _sc_gather(table, idx)
    return out.reshape(_B, 1)

# --- scband reference (transcript-rebuilt; emitter-appended) ---
"""Pipeline reference for scband-categorical-calibrator-71313636983040 (READ-ONLY COPY).

The authoritative reference and input builder live on the scoring server;
editing this copy changes nothing except your own understanding.
"""

import jax, jax.numpy as jnp
import numpy as np

NUM_CATEGORIES = 100000
BATCH = 16384

def setup_inputs(seed: int = 0) -> dict:
    key = jax.random.key(seed)
    k_x, k_w = jax.random.split(key)
    x = jax.random.randint(k_x, (BATCH, 1), 0, NUM_CATEGORIES, dtype=jnp.int32)
    # kernel init: CategoricalCalibratorInit.UNIFORM with no output bounds -> U(-0.05, 0.05)
    kernel = jax.random.uniform(k_w, (NUM_CATEGORIES, 1), dtype=jnp.float32, minval=-0.05, maxval=0.05)
    return {"x": x, "kernel": kernel}

def reference(x, kernel):
    # missing_input_value is None, so no remapping branch.
    # Torch forward: one_hot(squeeze(x,-1)) @ kernel  (mathematically an embedding gather)
    idx = jnp.squeeze(x, -1).astype(jnp.int32)
    one_hot = jax.nn.one_hot(idx, NUM_CATEGORIES, dtype=kernel.dtype)
    out = one_hot @ kernel  # shape (BATCH, 1); equivalent to jnp.take(kernel, idx, axis=0)
    return out

if __name__ == "__main__":
    import jax
    _d = setup_inputs()
    print(jax.jit(kernel)(*tuple(_d.values())))

</pallas_src>

<mosaic_0001>
#map = affine_map<(d0, d1) -> (0)>
#map1 = affine_map<(d0, d1) -> (0, 0, 0)>
module attributes {stable_mosaic.version = 14 : i64} {
  func.func @_gather_body(%arg0: i32, %arg1: i32, %arg2: memref<100000xf32, #tpu.memory_space<hbm>>, %arg3: memref<16x8x128xi32, #tpu.memory_space<hbm>>, %arg4: memref<16x8x128xf32, #tpu.memory_space<hbm>>, %arg5: memref<8x128xi32, #tpu.memory_space<vmem>>, %arg6: memref<8x128xf32, #tpu.memory_space<vmem>>, %arg7: memref<!tpu.dma_semaphore, #tpu.memory_space<semaphore_mem>>, %arg8: memref<!tpu.dma_semaphore, #tpu.memory_space<semaphore_mem>>, %arg9: memref<!tpu.dma_semaphore, #tpu.memory_space<semaphore_mem>>, %arg10: memref<!tpu.dma_semaphore, #tpu.memory_space<semaphore_mem>>, %arg11: memref<!tpu.dma_semaphore, #tpu.memory_space<semaphore_mem>>, %arg12: memref<!tpu.dma_semaphore, #tpu.memory_space<semaphore_mem>>, %arg13: memref<!tpu.dma_semaphore, #tpu.memory_space<semaphore_mem>>, %arg14: memref<!tpu.dma_semaphore, #tpu.memory_space<semaphore_mem>>, %arg15: memref<!tpu.dma_semaphore, #tpu.memory_space<semaphore_mem>>, %arg16: memref<!tpu.dma_semaphore, #tpu.memory_space<semaphore_mem>>, %arg17: memref<!tpu.dma_semaphore, #tpu.memory_space<semaphore_mem>>, %arg18: memref<!tpu.dma_semaphore, #tpu.memory_space<semaphore_mem>>, %arg19: memref<!tpu.dma_semaphore, #tpu.memory_space<semaphore_mem>>, %arg20: memref<!tpu.dma_semaphore, #tpu.memory_space<semaphore_mem>>, %arg21: memref<!tpu.dma_semaphore, #tpu.memory_space<semaphore_mem>>, %arg22: memref<!tpu.dma_semaphore, #tpu.memory_space<semaphore_mem>>, %arg23: memref<!tpu.dma_semaphore, #tpu.memory_space<semaphore_mem>>, %arg24: memref<!tpu.dma_semaphore, #tpu.memory_space<semaphore_mem>>, %arg25: memref<!tpu.dma_semaphore, #tpu.memory_space<semaphore_mem>>, %arg26: memref<!tpu.dma_semaphore, #tpu.memory_space<semaphore_mem>>, %arg27: memref<!tpu.dma_semaphore, #tpu.memory_space<semaphore_mem>>, %arg28: memref<!tpu.dma_semaphore, #tpu.memory_space<semaphore_mem>>, %arg29: memref<!tpu.dma_semaphore, #tpu.memory_space<semaphore_mem>>, %arg30: memref<!tpu.dma_semaphore, #tpu.memory_space<semaphore_mem>>) attributes {dimension_semantics = [#tpu.dimension_semantics<core_parallel>, #tpu.dimension_semantics<subcore_parallel>], iteration_bounds = array<i64: 1, 16>, scalar_prefetch = 0 : i64, scratch_operands = 26 : i64, tpu.core_type = #tpu.core_type<sc_vector_subcore>, window_params = [{transform_indices = #map}, {transform_indices = #map1}, {transform_indices = #map1}]} {
    %mul3A = arith.constant 16 : i32
    %mul3A_0 = arith.muli %arg0, %mul3A : i32
    %add3A = arith.addi %arg1, %mul3A_0 : i32
    %dma_start3A = arith.constant 0 : i32
    %dma_start3A_1 = arith.constant 0 : i32
    %dma_start3A_2 = arith.constant 0 : i32
    %dma_start3A_3 = tpu.memref_slice %arg5[%dma_start3A_1, %dma_start3A_2] : memref<8x128xi32, #tpu.memory_space<vmem>> -> memref<1x128xi32, #tpu.memory_space<vmem>>
    %dma_start3A_4 = tpu.memref_squeeze %dma_start3A_3 : memref<1x128xi32, #tpu.memory_space<vmem>> -> memref<128xi32, #tpu.memory_space<vmem>>
    %dma_start3A_5 = arith.constant 0 : i32
    %dma_start3A_6 = tpu.memref_slice %arg3[%add3A, %dma_start3A, %dma_start3A_5] : memref<16x8x128xi32, #tpu.memory_space<hbm>> -> memref<1x1x128xi32, #tpu.memory_space<hbm>>
    %dma_start3A_7 = tpu.memref_squeeze %dma_start3A_6 : memref<1x1x128xi32, #tpu.memory_space<hbm>> -> memref<128xi32, #tpu.memory_space<hbm>>
    %dma_start3A_8 = arith.constant 0 : i32
    %dma_start3A_9 = tpu.memref_slice %arg5[%dma_start3A_1, %dma_start3A_8] : memref<8x128xi32, #tpu.memory_space<vmem>> -> memref<1x128xi32, #tpu.memory_space<vmem>>
    %dma_start3A_10 = tpu.memref_squeeze %dma_start3A_9 : memref<1x128xi32, #tpu.memory_space<vmem>> -> memref<128xi32, #tpu.memory_space<vmem>>
    %dma_start3A_11 = arith.constant 0 : i32
    %dma_start3A_12 = tpu.memref_slice %arg3[%add3A, %dma_start3A, %dma_start3A_11] : memref<16x8x128xi32, #tpu.memory_space<hbm>> -> memref<1x1x128xi32, #tpu.memory_space<hbm>>
    %dma_start3A_13 = tpu.memref_squeeze %dma_start3A_12 : memref<1x1x128xi32, #tpu.memory_space<hbm>> -> memref<128xi32, #tpu.memory_space<hbm>>
    tpu.enqueue_dma source(%dma_start3A_13 : memref<128xi32, #tpu.memory_space<hbm>>) target(%dma_start3A_10 : memref<128xi32, #tpu.memory_space<vmem>>) target_semaphore(%arg7 : memref<!tpu.dma_semaphore, #tpu.memory_space<semaphore_mem>>)
    %dma_start3A_14 = arith.constant 1 : i32
    %dma_start3A_15 = arith.constant 1 : i32
    %dma_start3A_16 = arith.constant 0 : i32
    %dma_start3A_17 = tpu.memref_slice %arg5[%dma_start3A_15, %dma_start3A_16] : memref<8x128xi32, #tpu.memory_space<vmem>> -> memref<1x128xi32, #tpu.memory_space<vmem>>
    %dma_start3A_18 = tpu.memref_squeeze %dma_start3A_17 : memref<1x128xi32, #tpu.memory_space<vmem>> -> memref<128xi32, #tpu.memory_space<vmem>>
    %dma_start3A_19 = arith.constant 0 : i32
    %dma_start3A_20 = tpu.memref_slice %arg3[%add3A, %dma_start3A_14, %dma_start3A_19] : memref<16x8x128xi32, #tpu.memory_space<hbm>> -> memref<1x1x128xi32, #tpu.memory_space<hbm>>
    %dma_start3A_21 = tpu.memref_squeeze %dma_start3A_20 : memref<1x1x128xi32, #tpu.memory_space<hbm>> -> memref<128xi32, #tpu.memory_space<hbm>>
    %dma_start3A_22 = arith.constant 0 : i32
    %dma_start3A_23 = tpu.memref_slice %arg5[%dma_start3A_15, %dma_start3A_22] : memref<8x128xi32, #tpu.memory_space<vmem>> -> memref<1x128xi32, #tpu.memory_space<vmem>>
    %dma_start3A_24 = tpu.memref_squeeze %dma_start3A_23 : memref<1x128xi32, #tpu.memory_space<vmem>> -> memref<128xi32, #tpu.memory_space<vmem>>
    %dma_start3A_25 = arith.constant 0 : i32
    %dma_start3A_26 = tpu.memref_slice %arg3[%add3A, %dma_start3A_14, %dma_start3A_25] : memref<16x8x128xi32, #tpu.memory_space<hbm>> -> memref<1x1x128xi32, #tpu.memory_space<hbm>>
    %dma_start3A_27 = tpu.memref_squeeze %dma_start3A_26 : memref<1x1x128xi32, #tpu.memory_space<hbm>> -> memref<128xi32, #tpu.memory_space<hbm>>
    tpu.enqueue_dma source(%dma_start3A_27 : memref<128xi32, #tpu.memory_space<hbm>>) target(%dma_start3A_24 : memref<128xi32, #tpu.memory_space<vmem>>) target_semaphore(%arg8 : memref<!tpu.dma_semaphore, #tpu.memory_space<semaphore_mem>>)
    %dma_start3A_28 = arith.constant 2 : i32
    %dma_start3A_29 = arith.constant 2 : i32
    %dma_start3A_30 = arith.constant 0 : i32
    %dma_start3A_31 = tpu.memref_slice %arg5[%dma_start3A_29, %dma_start3A_30] : memref<8x128xi32, #tpu.memory_space<vmem>> -> memref<1x128xi32, #tpu.memory_space<vmem>>
    %dma_start3A_32 = tpu.memref_squeeze %dma_start3A_31 : memref<1x128xi32, #tpu.memory_space<vmem>> -> memref<128xi32, #tpu.memory_space<vmem>>
    %dma_start3A_33 = arith.constant 0 : i32
    %dma_start3A_34 = tpu.memref_slice %arg3[%add3A, %dma_start3A_28, %dma_start3A_33] : memref<16x8x128xi32, #tpu.memory_space<hbm>> -> memref<1x1x128xi32, #tpu.memory_space<hbm>>
    %dma_start3A_35 = tpu.memref_squeeze %dma_start3A_34 : memref<1x1x128xi32, #tpu.memory_space<hbm>> -> memref<128xi32, #tpu.memory_space<hbm>>
    %dma_start3A_36 = arith.constant 0 : i32
    %dma_start3A_37 = tpu.memref_slice %arg5[%dma_start3A_29, %dma_start3A_36] : memref<8x128xi32, #tpu.memory_space<vmem>> -> memref<1x128xi32, #tpu.memory_space<vmem>>
    %dma_start3A_38 = tpu.memref_squeeze %dma_start3A_37 : memref<1x128xi32, #tpu.memory_space<vmem>> -> memref<128xi32, #tpu.memory_space<vmem>>
    %dma_start3A_39 = arith.constant 0 : i32
    %dma_start3A_40 = tpu.memref_slice %arg3[%add3A, %dma_start3A_28, %dma_start3A_39] : memref<16x8x128xi32, #tpu.memory_space<hbm>> -> memref<1x1x128xi32, #tpu.memory_space<hbm>>
    %dma_start3A_41 = tpu.memref_squeeze %dma_start3A_40 : memref<1x1x128xi32, #tpu.memory_space<hbm>> -> memref<128xi32, #tpu.memory_space<hbm>>
    tpu.enqueue_dma source(%dma_start3A_41 : memref<128xi32, #tpu.memory_space<hbm>>) target(%dma_start3A_38 : memref<128xi32, #tpu.memory_space<vmem>>) target_semaphore(%arg9 : memref<!tpu.dma_semaphore, #tpu.memory_space<semaphore_mem>>)
    %dma_start3A_42 = arith.constant 3 : i32
    %dma_start3A_43 = arith.constant 3 : i32
    %dma_start3A_44 = arith.constant 0 : i32
    %dma_start3A_45 = tpu.memref_slice %arg5[%dma_start3A_43, %dma_start3A_44] : memref<8x128xi32, #tpu.memory_space<vmem>> -> memref<1x128xi32, #tpu.memory_space<vmem>>
    %dma_start3A_46 = tpu.memref_squeeze %dma_start3A_45 : memref<1x128xi32, #tpu.memory_space<vmem>> -> memref<128xi32, #tpu.memory_space<vmem>>
    %dma_start3A_47 = arith.constant 0 : i32
    %dma_start3A_48 = tpu.memref_slice %arg3[%add3A, %dma_start3A_42, %dma_start3A_47] : memref<16x8x128xi32, #tpu.memory_space<hbm>> -> memref<1x1x128xi32, #tpu.memory_space<hbm>>
    %dma_start3A_49 = tpu.memref_squeeze %dma_start3A_48 : memref<1x1x128xi32, #tpu.memory_space<hbm>> -> memref<128xi32, #tpu.memory_space<hbm>>
    %dma_start3A_50 = arith.constant 0 : i32
    %dma_start3A_51 = tpu.memref_slice %arg5[%dma_start3A_43, %dma_start3A_50] : memref<8x128xi32, #tpu.memory_space<vmem>> -> memref<1x128xi32, #tpu.memory_space<vmem>>
    %dma_start3A_52 = tpu.memref_squeeze %dma_start3A_51 : memref<1x128xi32, #tpu.memory_space<vmem>> -> memref<128xi32, #tpu.memory_space<vmem>>
    %dma_start3A_53 = arith.constant 0 : i32
    %dma_start3A_54 = tpu.memref_slice %arg3[%add3A, %dma_start3A_42, %dma_start3A_53] : memref<16x8x128xi32, #tpu.memory_space<hbm>> -> memref<1x1x128xi32, #tpu.memory_space<hbm>>
    %dma_start3A_55 = tpu.memref_squeeze %dma_start3A_54 : memref<1x1x128xi32, #tpu.memory_space<hbm>> -> memref<128xi32, #tpu.memory_space<hbm>>
    tpu.enqueue_dma source(%dma_start3A_55 : memref<128xi32, #tpu.memory_space<hbm>>) target(%dma_start3A_52 : memref<128xi32, #tpu.memory_space<vmem>>) target_semaphore(%arg10 : memref<!tpu.dma_semaphore, #tpu.memory_space<semaphore_mem>>)
    %dma_start3A_56 = arith.constant 4 : i32
    %dma_start3A_57 = arith.constant 4 : i32
    %dma_start3A_58 = arith.constant 0 : i32
    %dma_start3A_59 = tpu.memref_slice %arg5[%dma_start3A_57, %dma_start3A_58] : memref<8x128xi32, #tpu.memory_space<vmem>> -> memref<1x128xi32, #tpu.memory_space<vmem>>
    %dma_start3A_60 = tpu.memref_squeeze %dma_start3A_59 : memref<1x128xi32, #tpu.memory_space<vmem>> -> memref<128xi32, #tpu.memory_space<vmem>>
    %dma_start3A_61 = arith.constant 0 : i32
    %dma_start3A_62 = tpu.memref_slice %arg3[%add3A, %dma_start3A_56, %dma_start3A_61] : memref<16x8x128xi32, #tpu.memory_space<hbm>> -> memref<1x1x128xi32, #tpu.memory_space<hbm>>
    %dma_start3A_63 = tpu.memref_squeeze %dma_start3A_62 : memref<1x1x128xi32, #tpu.memory_space<hbm>> -> memref<128xi32, #tpu.memory_space<hbm>>
    %dma_start3A_64 = arith.constant 0 : i32
    %dma_start3A_65 = tpu.memref_slice %arg5[%dma_start3A_57, %dma_start3A_64] : memref<8x128xi32, #tpu.memory_space<vmem>> -> memref<1x128xi32, #tpu.memory_space<vmem>>
    %dma_start3A_66 = tpu.memref_squeeze %dma_start3A_65 : memref<1x128xi32, #tpu.memory_space<vmem>> -> memref<128xi32, #tpu.memory_space<vmem>>
    %dma_start3A_67 = arith.constant 0 : i32
    %dma_start3A_68 = tpu.memref_slice %arg3[%add3A, %dma_start3A_56, %dma_start3A_67] : memref<16x8x128xi32, #tpu.memory_space<hbm>> -> memref<1x1x128xi32, #tpu.memory_space<hbm>>
    %dma_start3A_69 = tpu.memref_squeeze %dma_start3A_68 : memref<1x1x128xi32, #tpu.memory_space<hbm>> -> memref<128xi32, #tpu.memory_space<hbm>>
    tpu.enqueue_dma source(%dma_start3A_69 : memref<128xi32, #tpu.memory_space<hbm>>) target(%dma_start3A_66 : memref<128xi32, #tpu.memory_space<vmem>>) target_semaphore(%arg11 : memref<!tpu.dma_semaphore, #tpu.memory_space<semaphore_mem>>)
    %dma_start3A_70 = arith.constant 5 : i32
    %dma_start3A_71 = arith.constant 5 : i32
    %dma_start3A_72 = arith.constant 0 : i32
    %dma_start3A_73 = tpu.memref_slice %arg5[%dma_start3A_71, %dma_start3A_72] : memref<8x128xi32, #tpu.memory_space<vmem>> -> memref<1x128xi32, #tpu.memory_space<vmem>>
    %dma_start3A_74 = tpu.memref_squeeze %dma_start3A_73 : memref<1x128xi32, #tpu.memory_space<vmem>> -> memref<128xi32, #tpu.memory_space<vmem>>
    %dma_start3A_75 = arith.constant 0 : i32
    %dma_start3A_76 = tpu.memref_slice %arg3[%add3A, %dma_start3A_70, %dma_start3A_75] : memref<16x8x128xi32, #tpu.memory_space<hbm>> -> memref<1x1x128xi32, #tpu.memory_space<hbm>>
    %dma_start3A_77 = tpu.memref_squeeze %dma_start3A_76 : memref<1x1x128xi32, #tpu.memory_space<hbm>> -> memref<128xi32, #tpu.memory_space<hbm>>
    %dma_start3A_78 = arith.constant 0 : i32
    %dma_start3A_79 = tpu.memref_slice %arg5[%dma_start3A_71, %dma_start3A_78] : memref<8x128xi32, #tpu.memory_space<vmem>> -> memref<1x128xi32, #tpu.memory_space<vmem>>
    %dma_start3A_80 = tpu.memref_squeeze %dma_start3A_79 : memref<1x128xi32, #tpu.memory_space<vmem>> -> memref<128xi32, #tpu.memory_space<vmem>>
    %dma_start3A_81 = arith.constant 0 : i32
    %dma_start3A_82 = tpu.memref_slice %arg3[%add3A, %dma_start3A_70, %dma_start3A_81] : memref<16x8x128xi32, #tpu.memory_space<hbm>> -> memref<1x1x128xi32, #tpu.memory_space<hbm>>
    %dma_start3A_83 = tpu.memref_squeeze %dma_start3A_82 : memref<1x1x128xi32, #tpu.memory_space<hbm>> -> memref<128xi32, #tpu.memory_space<hbm>>
    tpu.enqueue_dma source(%dma_start3A_83 : memref<128xi32, #tpu.memory_space<hbm>>) target(%dma_start3A_80 : memref<128xi32, #tpu.memory_space<vmem>>) target_semaphore(%arg12 : memref<!tpu.dma_semaphore, #tpu.memory_space<semaphore_mem>>)
    %dma_start3A_84 = arith.constant 6 : i32
    %dma_start3A_85 = arith.constant 6 : i32
    %dma_start3A_86 = arith.constant 0 : i32
    %dma_start3A_87 = tpu.memref_slice %arg5[%dma_start3A_85, %dma_start3A_86] : memref<8x128xi32, #tpu.memory_space<vmem>> -> memref<1x128xi32, #tpu.memory_space<vmem>>
    %dma_start3A_88 = tpu.memref_squeeze %dma_start3A_87 : memref<1x128xi32, #tpu.memory_space<vmem>> -> memref<128xi32, #tpu.memory_space<vmem>>
    %dma_start3A_89 = arith.constant 0 : i32
    %dma_start3A_90 = tpu.memref_slice %arg3[%add3A, %dma_start3A_84, %dma_start3A_89] : memref<16x8x128xi32, #tpu.memory_space<hbm>> -> memref<1x1x128xi32, #tpu.memory_space<hbm>>
    %dma_start3A_91 = tpu.memref_squeeze %dma_start3A_90 : memref<1x1x128xi32, #tpu.memory_space<hbm>> -> memref<128xi32, #tpu.memory_space<hbm>>
    %dma_start3A_92 = arith.constant 0 : i32
    %dma_start3A_93 = tpu.memref_slice %arg5[%dma_start3A_85, %dma_start3A_92] : memref<8x128xi32, #tpu.memory_space<vmem>> -> memref<1x128xi32, #tpu.memory_space<vmem>>
    %dma_start3A_94 = tpu.memref_squeeze %dma_start3A_93 : memref<1x128xi32, #tpu.memory_space<vmem>> -> memref<128xi32, #tpu.memory_space<vmem>>
    %dma_start3A_95 = arith.constant 0 : i32
    %dma_start3A_96 = tpu.memref_slice %arg3[%add3A, %dma_start3A_84, %dma_start3A_95] : memref<16x8x128xi32, #tpu.memory_space<hbm>> -> memref<1x1x128xi32, #tpu.memory_space<hbm>>
    %dma_start3A_97 = tpu.memref_squeeze %dma_start3A_96 : memref<1x1x128xi32, #tpu.memory_space<hbm>> -> memref<128xi32, #tpu.memory_space<hbm>>
    tpu.enqueue_dma source(%dma_start3A_97 : memref<128xi32, #tpu.memory_space<hbm>>) target(%dma_start3A_94 : memref<128xi32, #tpu.memory_space<vmem>>) target_semaphore(%arg13 : memref<!tpu.dma_semaphore, #tpu.memory_space<semaphore_mem>>)
    %dma_start3A_98 = arith.constant 7 : i32
    %dma_start3A_99 = arith.constant 7 : i32
    %dma_start3A_100 = arith.constant 0 : i32
    %dma_start3A_101 = tpu.memref_slice %arg5[%dma_start3A_99, %dma_start3A_100] : memref<8x128xi32, #tpu.memory_space<vmem>> -> memref<1x128xi32, #tpu.memory_space<vmem>>
    %dma_start3A_102 = tpu.memref_squeeze %dma_start3A_101 : memref<1x128xi32, #tpu.memory_space<vmem>> -> memref<128xi32, #tpu.memory_space<vmem>>
    %dma_start3A_103 = arith.constant 0 : i32
    %dma_start3A_104 = tpu.memref_slice %arg3[%add3A, %dma_start3A_98, %dma_start3A_103] : memref<16x8x128xi32, #tpu.memory_space<hbm>> -> memref<1x1x128xi32, #tpu.memory_space<hbm>>
    %dma_start3A_105 = tpu.memref_squeeze %dma_start3A_104 : memref<1x1x128xi32, #tpu.memory_space<hbm>> -> memref<128xi32, #tpu.memory_space<hbm>>
    %dma_start3A_106 = arith.constant 0 : i32
    %dma_start3A_107 = tpu.memref_slice %arg5[%dma_start3A_99, %dma_start3A_106] : memref<8x128xi32, #tpu.memory_space<vmem>> -> memref<1x128xi32, #tpu.memory_space<vmem>>
    %dma_start3A_108 = tpu.memref_squeeze %dma_start3A_107 : memref<1x128xi32, #tpu.memory_space<vmem>> -> memref<128xi32, #tpu.memory_space<vmem>>
    %dma_start3A_109 = arith.constant 0 : i32
    %dma_start3A_110 = tpu.memref_slice %arg3[%add3A, %dma_start3A_98, %dma_start3A_109] : memref<16x8x128xi32, #tpu.memory_space<hbm>> -> memref<1x1x128xi32, #tpu.memory_space<hbm>>
    %dma_start3A_111 = tpu.memref_squeeze %dma_start3A_110 : memref<1x1x128xi32, #tpu.memory_space<hbm>> -> memref<128xi32, #tpu.memory_space<hbm>>
    tpu.enqueue_dma source(%dma_start3A_111 : memref<128xi32, #tpu.memory_space<hbm>>) target(%dma_start3A_108 : memref<128xi32, #tpu.memory_space<vmem>>) target_semaphore(%arg14 : memref<!tpu.dma_semaphore, #tpu.memory_space<semaphore_mem>>)
    %dma_wait3A = arith.constant 0 : i32
    %dma_wait3A_112 = arith.constant 0 : i32
    %dma_wait3A_113 = arith.constant 0 : i32
    %dma_wait3A_114 = tpu.memref_slice %arg5[%dma_wait3A_112, %dma_wait3A_113] : memref<8x128xi32, #tpu.memory_space<vmem>> -> memref<1x128xi32, #tpu.memory_space<vmem>>
    %dma_wait3A_115 = tpu.memref_squeeze %dma_wait3A_114 : memref<1x128xi32, #tpu.memory_space<vmem>> -> memref<128xi32, #tpu.memory_space<vmem>>
    %dma_wait3A_116 = arith.constant 0 : i32
    %dma_wait3A_117 = tpu.memref_slice %arg3[%add3A, %dma_wait3A, %dma_wait3A_116] : memref<16x8x128xi32, #tpu.memory_space<hbm>> -> memref<1x1x128xi32, #tpu.memory_space<hbm>>
    %dma_wait3A_118 = tpu.memref_squeeze %dma_wait3A_117 : memref<1x1x128xi32, #tpu.memory_space<hbm>> -> memref<128xi32, #tpu.memory_space<hbm>>
    %dma_wait3A_119 = arith.constant 0 : i32
    %dma_wait3A_120 = tpu.memref_slice %arg5[%dma_wait3A_112, %dma_wait3A_119] : memref<8x128xi32, #tpu.memory_space<vmem>> -> memref<1x128xi32, #tpu.memory_space<vmem>>
    %dma_wait3A_121 = tpu.memref_squeeze %dma_wait3A_120 : memref<1x128xi32, #tpu.memory_space<vmem>> -> memref<128xi32, #tpu.memory_space<vmem>>
    %dma_wait3A_122 = arith.constant 0 : i32
    %dma_wait3A_123 = tpu.memref_slice %arg3[%add3A, %dma_wait3A, %dma_wait3A_122] : memref<16x8x128xi32, #tpu.memory_space<hbm>> -> memref<1x1x128xi32, #tpu.memory_space<hbm>>
    %dma_wait3A_124 = tpu.memref_squeeze %dma_wait3A_123 : memref<1x1x128xi32, #tpu.memory_space<hbm>> -> memref<128xi32, #tpu.memory_space<hbm>>
    tpu.wait_dma2 semaphore(%arg7 : memref<!tpu.dma_semaphore, #tpu.memory_space<semaphore_mem>>) src(%dma_wait3A_124 : memref<128xi32, #tpu.memory_space<hbm>>) dst(%dma_wait3A_121 : memref<128xi32, #tpu.memory_space<vmem>>)
    %dma_start3A_125 = arith.constant 0 : i32
    %dma_start3A_126 = arith.constant 0 : i32
    %dma_start3A_127 = arith.constant 0 : i32
    %dma_start3A_128 = tpu.memref_slice %arg6[%dma_start3A_126, %dma_start3A_127] : memref<8x128xf32, #tpu.memory_space<vmem>> -> memref<1x128xf32, #tpu.memory_space<vmem>>
    %dma_start3A_129 = tpu.memref_squeeze %dma_start3A_128 : memref<1x128xf32, #tpu.memory_space<vmem>> -> memref<128xf32, #tpu.memory_space<vmem>>
    %dma_start3A_130 = arith.constant 0 : i32
    %dma_start3A_131 = tpu.memref_slice %arg5[%dma_start3A_125, %dma_start3A_130] : memref<8x128xi32, #tpu.memory_space<vmem>> -> memref<1x128xi32, #tpu.memory_space<vmem>>
    %dma_start3A_132 = tpu.memref_squeeze %dma_start3A_131 : memref<1x128xi32, #tpu.memory_space<vmem>> -> memref<128xi32, #tpu.memory_space<vmem>>
    %dma_start3A_133 = arith.constant 0 : i32
    %dma_start3A_134 = tpu.memref_slice %arg2[%dma_start3A_133] : memref<100000xf32, #tpu.memory_space<hbm>> -> memref<100000xf32, #tpu.memory_space<hbm>>
    tpu.enqueue_indirect_dma source(%dma_start3A_134 : memref<100000xf32, #tpu.memory_space<hbm>>) target(%dma_start3A_129 : memref<128xf32, #tpu.memory_space<vmem>>) offsets(%dma_start3A_132 : memref<128xi32, #tpu.memory_space<vmem>>) semaphore(%arg15 : memref<!tpu.dma_semaphore, #tpu.memory_space<semaphore_mem>>)
    %dma_wait3A_135 = arith.constant 1 : i32
    %dma_wait3A_136 = arith.constant 1 : i32
    %dma_wait3A_137 = arith.constant 0 : i32
    %dma_wait3A_138 = tpu.memref_slice %arg5[%dma_wait3A_136, %dma_wait3A_137] : memref<8x128xi32, #tpu.memory_space<vmem>> -> memref<1x128xi32, #tpu.memory_space<vmem>>
    %dma_wait3A_139 = tpu.memref_squeeze %dma_wait3A_138 : memref<1x128xi32, #tpu.memory_space<vmem>> -> memref<128xi32, #tpu.memory_space<vmem>>
    %dma_wait3A_140 = arith.constant 0 : i32
    %dma_wait3A_141 = tpu.memref_slice %arg3[%add3A, %dma_wait3A_135, %dma_wait3A_140] : memref<16x8x128xi32, #tpu.memory_space<hbm>> -> memref<1x1x128xi32, #tpu.memory_space<hbm>>
    %dma_wait3A_142 = tpu.memref_squeeze %dma_wait3A_141 : memref<1x1x128xi32, #tpu.memory_space<hbm>> -> memref<128xi32, #tpu.memory_space<hbm>>
    %dma_wait3A_143 = arith.constant 0 : i32
    %dma_wait3A_144 = tpu.memref_slice %arg5[%dma_wait3A_136, %dma_wait3A_143] : memref<8x128xi32, #tpu.memory_space<vmem>> -> memref<1x128xi32, #tpu.memory_space<vmem>>
    %dma_wait3A_145 = tpu.memref_squeeze %dma_wait3A_144 : memref<1x128xi32, #tpu.memory_space<vmem>> -> memref<128xi32, #tpu.memory_space<vmem>>
    %dma_wait3A_146 = arith.constant 0 : i32
    %dma_wait3A_147 = tpu.memref_slice %arg3[%add3A, %dma_wait3A_135, %dma_wait3A_146] : memref<16x8x128xi32, #tpu.memory_space<hbm>> -> memref<1x1x128xi32, #tpu.memory_space<hbm>>
    %dma_wait3A_148 = tpu.memref_squeeze %dma_wait3A_147 : memref<1x1x128xi32, #tpu.memory_space<hbm>> -> memref<128xi32, #tpu.memory_space<hbm>>
    tpu.wait_dma2 semaphore(%arg8 : memref<!tpu.dma_semaphore, #tpu.memory_space<semaphore_mem>>) src(%dma_wait3A_148 : memref<128xi32, #tpu.memory_space<hbm>>) dst(%dma_wait3A_145 : memref<128xi32, #tpu.memory_space<vmem>>)
    %dma_start3A_149 = arith.constant 1 : i32
    %dma_start3A_150 = arith.constant 1 : i32
    %dma_start3A_151 = arith.constant 0 : i32
    %dma_start3A_152 = tpu.memref_slice %arg6[%dma_start3A_150, %dma_start3A_151] : memref<8x128xf32, #tpu.memory_space<vmem>> -> memref<1x128xf32, #tpu.memory_space<vmem>>
    %dma_start3A_153 = tpu.memref_squeeze %dma_start3A_152 : memref<1x128xf32, #tpu.memory_space<vmem>> -> memref<128xf32, #tpu.memory_space<vmem>>
    %dma_start3A_154 = arith.constant 0 : i32
    %dma_start3A_155 = tpu.memref_slice %arg5[%dma_start3A_149, %dma_start3A_154] : memref<8x128xi32, #tpu.memory_space<vmem>> -> memref<1x128xi32, #tpu.memory_space<vmem>>
    %dma_start3A_156 = tpu.memref_squeeze %dma_start3A_155 : memref<1x128xi32, #tpu.memory_space<vmem>> -> memref<128xi32, #tpu.memory_space<vmem>>
    %dma_start3A_157 = arith.constant 0 : i32
    %dma_start3A_158 = tpu.memref_slice %arg2[%dma_start3A_157] : memref<100000xf32, #tpu.memory_space<hbm>> -> memref<100000xf32, #tpu.memory_space<hbm>>
    tpu.enqueue_indirect_dma source(%dma_start3A_158 : memref<100000xf32, #tpu.memory_space<hbm>>) target(%dma_start3A_153 : memref<128xf32, #tpu.memory_space<vmem>>) offsets(%dma_start3A_156 : memref<128xi32, #tpu.memory_space<vmem>>) semaphore(%arg16 : memref<!tpu.dma_semaphore, #tpu.memory_space<semaphore_mem>>)
    %dma_wait3A_159 = arith.constant 2 : i32
    %dma_wait3A_160 = arith.constant 2 : i32
    %dma_wait3A_161 = arith.constant 0 : i32
    %dma_wait3A_162 = tpu.memref_slice %arg5[%dma_wait3A_160, %dma_wait3A_161] : memref<8x128xi32, #tpu.memory_space<vmem>> -> memref<1x128xi32, #tpu.memory_space<vmem>>
    %dma_wait3A_163 = tpu.memref_squeeze %dma_wait3A_162 : memref<1x128xi32, #tpu.memory_space<vmem>> -> memref<128xi32, #tpu.memory_space<vmem>>
    %dma_wait3A_164 = arith.constant 0 : i32
    %dma_wait3A_165 = tpu.memref_slice %arg3[%add3A, %dma_wait3A_159, %dma_wait3A_164] : memref<16x8x128xi32, #tpu.memory_space<hbm>> -> memref<1x1x128xi32, #tpu.memory_space<hbm>>
    %dma_wait3A_166 = tpu.memref_squeeze %dma_wait3A_165 : memref<1x1x128xi32, #tpu.memory_space<hbm>> -> memref<128xi32, #tpu.memory_space<hbm>>
    %dma_wait3A_167 = arith.constant 0 : i32
    %dma_wait3A_168 = tpu.memref_slice %arg5[%dma_wait3A_160, %dma_wait3A_167] : memref<8x128xi32, #tpu.memory_space<vmem>> -> memref<1x128xi32, #tpu.memory_space<vmem>>
    %dma_wait3A_169 = tpu.memref_squeeze %dma_wait3A_168 : memref<1x128xi32, #tpu.memory_space<vmem>> -> memref<128xi32, #tpu.memory_space<vmem>>
    %dma_wait3A_170 = arith.constant 0 : i32
    %dma_wait3A_171 = tpu.memref_slice %arg3[%add3A, %dma_wait3A_159, %dma_wait3A_170] : memref<16x8x128xi32, #tpu.memory_space<hbm>> -> memref<1x1x128xi32, #tpu.memory_space<hbm>>
    %dma_wait3A_172 = tpu.memref_squeeze %dma_wait3A_171 : memref<1x1x128xi32, #tpu.memory_space<hbm>> -> memref<128xi32, #tpu.memory_space<hbm>>
    tpu.wait_dma2 semaphore(%arg9 : memref<!tpu.dma_semaphore, #tpu.memory_space<semaphore_mem>>) src(%dma_wait3A_172 : memref<128xi32, #tpu.memory_space<hbm>>) dst(%dma_wait3A_169 : memref<128xi32, #tpu.memory_space<vmem>>)
    %dma_start3A_173 = arith.constant 2 : i32
    %dma_start3A_174 = arith.constant 2 : i32
    %dma_start3A_175 = arith.constant 0 : i32
    %dma_start3A_176 = tpu.memref_slice %arg6[%dma_start3A_174, %dma_start3A_175] : memref<8x128xf32, #tpu.memory_space<vmem>> -> memref<1x128xf32, #tpu.memory_space<vmem>>
    %dma_start3A_177 = tpu.memref_squeeze %dma_start3A_176 : memref<1x128xf32, #tpu.memory_space<vmem>> -> memref<128xf32, #tpu.memory_space<vmem>>
    %dma_start3A_178 = arith.constant 0 : i32
    %dma_start3A_179 = tpu.memref_slice %arg5[%dma_start3A_173, %dma_start3A_178] : memref<8x128xi32, #tpu.memory_space<vmem>> -> memref<1x128xi32, #tpu.memory_space<vmem>>
    %dma_start3A_180 = tpu.memref_squeeze %dma_start3A_179 : memref<1x128xi32, #tpu.memory_space<vmem>> -> memref<128xi32, #tpu.memory_space<vmem>>
    %dma_start3A_181 = arith.constant 0 : i32
    %dma_start3A_182 = tpu.memref_slice %arg2[%dma_start3A_181] : memref<100000xf32, #tpu.memory_space<hbm>> -> memref<100000xf32, #tpu.memory_space<hbm>>
    tpu.enqueue_indirect_dma source(%dma_start3A_182 : memref<100000xf32, #tpu.memory_space<hbm>>) target(%dma_start3A_177 : memref<128xf32, #tpu.memory_space<vmem>>) offsets(%dma_start3A_180 : memref<128xi32, #tpu.memory_space<vmem>>) semaphore(%arg17 : memref<!tpu.dma_semaphore, #tpu.memory_space<semaphore_mem>>)
    %dma_wait3A_183 = arith.constant 3 : i32
    %dma_wait3A_184 = arith.constant 3 : i32
    %dma_wait3A_185 = arith.constant 0 : i32
    %dma_wait3A_186 = tpu.memref_slice %arg5[%dma_wait3A_184, %dma_wait3A_185] : memref<8x128xi32, #tpu.memory_space<vmem>> -> memref<1x128xi32, #tpu.memory_space<vmem>>
    %dma_wait3A_187 = tpu.memref_squeeze %dma_wait3A_186 : memref<1x128xi32, #tpu.memory_space<vmem>> -> memref<128xi32, #tpu.memory_space<vmem>>
    %dma_wait3A_188 = arith.constant 0 : i32
    %dma_wait3A_189 = tpu.memref_slice %arg3[%add3A, %dma_wait3A_183, %dma_wait3A_188] : memref<16x8x128xi32, #tpu.memory_space<hbm>> -> memref<1x1x128xi32, #tpu.memory_space<hbm>>
    %dma_wait3A_190 = tpu.memref_squeeze %dma_wait3A_189 : memref<1x1x128xi32, #tpu.memory_space<hbm>> -> memref<128xi32, #tpu.memory_space<hbm>>
    %dma_wait3A_191 = arith.constant 0 : i32
    %dma_wait3A_192 = tpu.memref_slice %arg5[%dma_wait3A_184, %dma_wait3A_191] : memref<8x128xi32, #tpu.memory_space<vmem>> -> memref<1x128xi32, #tpu.memory_space<vmem>>
    %dma_wait3A_193 = tpu.memref_squeeze %dma_wait3A_192 : memref<1x128xi32, #tpu.memory_space<vmem>> -> memref<128xi32, #tpu.memory_space<vmem>>
    %dma_wait3A_194 = arith.constant 0 : i32
    %dma_wait3A_195 = tpu.memref_slice %arg3[%add3A, %dma_wait3A_183, %dma_wait3A_194] : memref<16x8x128xi32, #tpu.memory_space<hbm>> -> memref<1x1x128xi32, #tpu.memory_space<hbm>>
    %dma_wait3A_196 = tpu.memref_squeeze %dma_wait3A_195 : memref<1x1x128xi32, #tpu.memory_space<hbm>> -> memref<128xi32, #tpu.memory_space<hbm>>
    tpu.wait_dma2 semaphore(%arg10 : memref<!tpu.dma_semaphore, #tpu.memory_space<semaphore_mem>>) src(%dma_wait3A_196 : memref<128xi32, #tpu.memory_space<hbm>>) dst(%dma_wait3A_193 : memref<128xi32, #tpu.memory_space<vmem>>)
    %dma_start3A_197 = arith.constant 3 : i32
    %dma_start3A_198 = arith.constant 3 : i32
    %dma_start3A_199 = arith.constant 0 : i32
    %dma_start3A_200 = tpu.memref_slice %arg6[%dma_start3A_198, %dma_start3A_199] : memref<8x128xf32, #tpu.memory_space<vmem>> -> memref<1x128xf32, #tpu.memory_space<vmem>>
    %dma_start3A_201 = tpu.memref_squeeze %dma_start3A_200 : memref<1x128xf32, #tpu.memory_space<vmem>> -> memref<128xf32, #tpu.memory_space<vmem>>
    %dma_start3A_202 = arith.constant 0 : i32
    %dma_start3A_203 = tpu.memref_slice %arg5[%dma_start3A_197, %dma_start3A_202] : memref<8x128xi32, #tpu.memory_space<vmem>> -> memref<1x128xi32, #tpu.memory_space<vmem>>
    %dma_start3A_204 = tpu.memref_squeeze %dma_start3A_203 : memref<1x128xi32, #tpu.memory_space<vmem>> -> memref<128xi32, #tpu.memory_space<vmem>>
    %dma_start3A_205 = arith.constant 0 : i32
    %dma_start3A_206 = tpu.memref_slice %arg2[%dma_start3A_205] : memref<100000xf32, #tpu.memory_space<hbm>> -> memref<100000xf32, #tpu.memory_space<hbm>>
    tpu.enqueue_indirect_dma source(%dma_start3A_206 : memref<100000xf32, #tpu.memory_space<hbm>>) target(%dma_start3A_201 : memref<128xf32, #tpu.memory_space<vmem>>) offsets(%dma_start3A_204 : memref<128xi32, #tpu.memory_space<vmem>>) semaphore(%arg18 : memref<!tpu.dma_semaphore, #tpu.memory_space<semaphore_mem>>)
    %dma_wait3A_207 = arith.constant 4 : i32
    %dma_wait3A_208 = arith.constant 4 : i32
    %dma_wait3A_209 = arith.constant 0 : i32
    %dma_wait3A_210 = tpu.memref_slice %arg5[%dma_wait3A_208, %dma_wait3A_209] : memref<8x128xi32, #tpu.memory_space<vmem>> -> memref<1x128xi32, #tpu.memory_space<vmem>>
    %dma_wait3A_211 = tpu.memref_squeeze %dma_wait3A_210 : memref<1x128xi32, #tpu.memory_space<vmem>> -> memref<128xi32, #tpu.memory_space<vmem>>
    %dma_wait3A_212 = arith.constant 0 : i32
    %dma_wait3A_213 = tpu.memref_slice %arg3[%add3A, %dma_wait3A_207, %dma_wait3A_212] : memref<16x8x128xi32, #tpu.memory_space<hbm>> -> memref<1x1x128xi32, #tpu.memory_space<hbm>>
    %dma_wait3A_214 = tpu.memref_squeeze %dma_wait3A_213 : memref<1x1x128xi32, #tpu.memory_space<hbm>> -> memref<128xi32, #tpu.memory_space<hbm>>
    %dma_wait3A_215 = arith.constant 0 : i32
    %dma_wait3A_216 = tpu.memref_slice %arg5[%dma_wait3A_208, %dma_wait3A_215] : memref<8x128xi32, #tpu.memory_space<vmem>> -> memref<1x128xi32, #tpu.memory_space<vmem>>
    %dma_wait3A_217 = tpu.memref_squeeze %dma_wait3A_216 : memref<1x128xi32, #tpu.memory_space<vmem>> -> memref<128xi32, #tpu.memory_space<vmem>>
    %dma_wait3A_218 = arith.constant 0 : i32
    %dma_wait3A_219 = tpu.memref_slice %arg3[%add3A, %dma_wait3A_207, %dma_wait3A_218] : memref<16x8x128xi32, #tpu.memory_space<hbm>> -> memref<1x1x128xi32, #tpu.memory_space<hbm>>
    %dma_wait3A_220 = tpu.memref_squeeze %dma_wait3A_219 : memref<1x1x128xi32, #tpu.memory_space<hbm>> -> memref<128xi32, #tpu.memory_space<hbm>>
    tpu.wait_dma2 semaphore(%arg11 : memref<!tpu.dma_semaphore, #tpu.memory_space<semaphore_mem>>) src(%dma_wait3A_220 : memref<128xi32, #tpu.memory_space<hbm>>) dst(%dma_wait3A_217 : memref<128xi32, #tpu.memory_space<vmem>>)
    %dma_start3A_221 = arith.constant 4 : i32
    %dma_start3A_222 = arith.constant 4 : i32
    %dma_start3A_223 = arith.constant 0 : i32
    %dma_start3A_224 = tpu.memref_slice %arg6[%dma_start3A_222, %dma_start3A_223] : memref<8x128xf32, #tpu.memory_space<vmem>> -> memref<1x128xf32, #tpu.memory_space<vmem>>
    %dma_start3A_225 = tpu.memref_squeeze %dma_start3A_224 : memref<1x128xf32, #tpu.memory_space<vmem>> -> memref<128xf32, #tpu.memory_space<vmem>>
    %dma_start3A_226 = arith.constant 0 : i32
    %dma_start3A_227 = tpu.memref_slice %arg5[%dma_start3A_221, %dma_start3A_226] : memref<8x128xi32, #tpu.memory_space<vmem>> -> memref<1x128xi32, #tpu.memory_space<vmem>>
    %dma_start3A_228 = tpu.memref_squeeze %dma_start3A_227 : memref<1x128xi32, #tpu.memory_space<vmem>> -> memref<128xi32, #tpu.memory_space<vmem>>
    %dma_start3A_229 = arith.constant 0 : i32
    %dma_start3A_230 = tpu.memref_slice %arg2[%dma_start3A_229] : memref<100000xf32, #tpu.memory_space<hbm>> -> memref<100000xf32, #tpu.memory_space<hbm>>
    tpu.enqueue_indirect_dma source(%dma_start3A_230 : memref<100000xf32, #tpu.memory_space<hbm>>) target(%dma_start3A_225 : memref<128xf32, #tpu.memory_space<vmem>>) offsets(%dma_start3A_228 : memref<128xi32, #tpu.memory_space<vmem>>) semaphore(%arg19 : memref<!tpu.dma_semaphore, #tpu.memory_space<semaphore_mem>>)
    %dma_wait3A_231 = arith.constant 5 : i32
    %dma_wait3A_232 = arith.constant 5 : i32
    %dma_wait3A_233 = arith.constant 0 : i32
    %dma_wait3A_234 = tpu.memref_slice %arg5[%dma_wait3A_232, %dma_wait3A_233] : memref<8x128xi32, #tpu.memory_space<vmem>> -> memref<1x128xi32, #tpu.memory_space<vmem>>
    %dma_wait3A_235 = tpu.memref_squeeze %dma_wait3A_234 : memref<1x128xi32, #tpu.memory_space<vmem>> -> memref<128xi32, #tpu.memory_space<vmem>>
    %dma_wait3A_236 = arith.constant 0 : i32
    %dma_wait3A_237 = tpu.memref_slice %arg3[%add3A, %dma_wait3A_231, %dma_wait3A_236] : memref<16x8x128xi32, #tpu.memory_space<hbm>> -> memref<1x1x128xi32, #tpu.memory_space<hbm>>
    %dma_wait3A_238 = tpu.memref_squeeze %dma_wait3A_237 : memref<1x1x128xi32, #tpu.memory_space<hbm>> -> memref<128xi32, #tpu.memory_space<hbm>>
    %dma_wait3A_239 = arith.constant 0 : i32
    %dma_wait3A_240 = tpu.memref_slice %arg5[%dma_wait3A_232, %dma_wait3A_239] : memref<8x128xi32, #tpu.memory_space<vmem>> -> memref<1x128xi32, #tpu.memory_space<vmem>>
    %dma_wait3A_241 = tpu.memref_squeeze %dma_wait3A_240 : memref<1x128xi32, #tpu.memory_space<vmem>> -> memref<128xi32, #tpu.memory_space<vmem>>
    %dma_wait3A_242 = arith.constant 0 : i32
    %dma_wait3A_243 = tpu.memref_slice %arg3[%add3A, %dma_wait3A_231, %dma_wait3A_242] : memref<16x8x128xi32, #tpu.memory_space<hbm>> -> memref<1x1x128xi32, #tpu.memory_space<hbm>>
    %dma_wait3A_244 = tpu.memref_squeeze %dma_wait3A_243 : memref<1x1x128xi32, #tpu.memory_space<hbm>> -> memref<128xi32, #tpu.memory_space<hbm>>
    tpu.wait_dma2 semaphore(%arg12 : memref<!tpu.dma_semaphore, #tpu.memory_space<semaphore_mem>>) src(%dma_wait3A_244 : memref<128xi32, #tpu.memory_space<hbm>>) dst(%dma_wait3A_241 : memref<128xi32, #tpu.memory_space<vmem>>)
    %dma_start3A_245 = arith.constant 5 : i32
    %dma_start3A_246 = arith.constant 5 : i32
    %dma_start3A_247 = arith.constant 0 : i32
    %dma_start3A_248 = tpu.memref_slice %arg6[%dma_start3A_246, %dma_start3A_247] : memref<8x128xf32, #tpu.memory_space<vmem>> -> memref<1x128xf32, #tpu.memory_space<vmem>>
    %dma_start3A_249 = tpu.memref_squeeze %dma_start3A_248 : memref<1x128xf32, #tpu.memory_space<vmem>> -> memref<128xf32, #tpu.memory_space<vmem>>
    %dma_start3A_250 = arith.constant 0 : i32
    %dma_start3A_251 = tpu.memref_slice %arg5[%dma_start3A_245, %dma_start3A_250] : memref<8x128xi32, #tpu.memory_space<vmem>> -> memref<1x128xi32, #tpu.memory_space<vmem>>
    %dma_start3A_252 = tpu.memref_squeeze %dma_start3A_251 : memref<1x128xi32, #tpu.memory_space<vmem>> -> memref<128xi32, #tpu.memory_space<vmem>>
    %dma_start3A_253 = arith.constant 0 : i32
    %dma_start3A_254 = tpu.memref_slice %arg2[%dma_start3A_253] : memref<100000xf32, #tpu.memory_space<hbm>> -> memref<100000xf32, #tpu.memory_space<hbm>>
    tpu.enqueue_indirect_dma source(%dma_start3A_254 : memref<100000xf32, #tpu.memory_space<hbm>>) target(%dma_start3A_249 : memref<128xf32, #tpu.memory_space<vmem>>) offsets(%dma_start3A_252 : memref<128xi32, #tpu.memory_space<vmem>>) semaphore(%arg20 : memref<!tpu.dma_semaphore, #tpu.memory_space<semaphore_mem>>)
    %dma_wait3A_255 = arith.constant 6 : i32
    %dma_wait3A_256 = arith.constant 6 : i32
    %dma_wait3A_257 = arith.constant 0 : i32
    %dma_wait3A_258 = tpu.memref_slice %arg5[%dma_wait3A_256, %dma_wait3A_257] : memref<8x128xi32, #tpu.memory_space<vmem>> -> memref<1x128xi32, #tpu.memory_space<vmem>>
    %dma_wait3A_259 = tpu.memref_squeeze %dma_wait3A_258 : memref<1x128xi32, #tpu.memory_space<vmem>> -> memref<128xi32, #tpu.memory_space<vmem>>
    %dma_wait3A_260 = arith.constant 0 : i32
    %dma_wait3A_261 = tpu.memref_slice %arg3[%add3A, %dma_wait3A_255, %dma_wait3A_260] : memref<16x8x128xi32, #tpu.memory_space<hbm>> -> memref<1x1x128xi32, #tpu.memory_space<hbm>>
    %dma_wait3A_262 = tpu.memref_squeeze %dma_wait3A_261 : memref<1x1x128xi32, #tpu.memory_space<hbm>> -> memref<128xi32, #tpu.memory_space<hbm>>
    %dma_wait3A_263 = arith.constant 0 : i32
    %dma_wait3A_264 = tpu.memref_slice %arg5[%dma_wait3A_256, %dma_wait3A_263] : memref<8x128xi32, #tpu.memory_space<vmem>> -> memref<1x128xi32, #tpu.memory_space<vmem>>
    %dma_wait3A_265 = tpu.memref_squeeze %dma_wait3A_264 : memref<1x128xi32, #tpu.memory_space<vmem>> -> memref<128xi32, #tpu.memory_space<vmem>>
    %dma_wait3A_266 = arith.constant 0 : i32
    %dma_wait3A_267 = tpu.memref_slice %arg3[%add3A, %dma_wait3A_255, %dma_wait3A_266] : memref<16x8x128xi32, #tpu.memory_space<hbm>> -> memref<1x1x128xi32, #tpu.memory_space<hbm>>
    %dma_wait3A_268 = tpu.memref_squeeze %dma_wait3A_267 : memref<1x1x128xi32, #tpu.memory_space<hbm>> -> memref<128xi32, #tpu.memory_space<hbm>>
    tpu.wait_dma2 semaphore(%arg13 : memref<!tpu.dma_semaphore, #tpu.memory_space<semaphore_mem>>) src(%dma_wait3A_268 : memref<128xi32, #tpu.memory_space<hbm>>) dst(%dma_wait3A_265 : memref<128xi32, #tpu.memory_space<vmem>>)
    %dma_start3A_269 = arith.constant 6 : i32
    %dma_start3A_270 = arith.constant 6 : i32
    %dma_start3A_271 = arith.constant 0 : i32
    %dma_start3A_272 = tpu.memref_slice %arg6[%dma_start3A_270, %dma_start3A_271] : memref<8x128xf32, #tpu.memory_space<vmem>> -> memref<1x128xf32, #tpu.memory_space<vmem>>
    %dma_start3A_273 = tpu.memref_squeeze %dma_start3A_272 : memref<1x128xf32, #tpu.memory_space<vmem>> -> memref<128xf32, #tpu.memory_space<vmem>>
    %dma_start3A_274 = arith.constant 0 : i32
    %dma_start3A_275 = tpu.memref_slice %arg5[%dma_start3A_269, %dma_start3A_274] : memref<8x128xi32, #tpu.memory_space<vmem>> -> memref<1x128xi32, #tpu.memory_space<vmem>>
    %dma_start3A_276 = tpu.memref_squeeze %dma_start3A_275 : memref<1x128xi32, #tpu.memory_space<vmem>> -> memref<128xi32, #tpu.memory_space<vmem>>
    %dma_start3A_277 = arith.constant 0 : i32
    %dma_start3A_278 = tpu.memref_slice %arg2[%dma_start3A_277] : memref<100000xf32, #tpu.memory_space<hbm>> -> memref<100000xf32, #tpu.memory_space<hbm>>
    tpu.enqueue_indirect_dma source(%dma_start3A_278 : memref<100000xf32, #tpu.memory_space<hbm>>) target(%dma_start3A_273 : memref<128xf32, #tpu.memory_space<vmem>>) offsets(%dma_start3A_276 : memref<128xi32, #tpu.memory_space<vmem>>) semaphore(%arg21 : memref<!tpu.dma_semaphore, #tpu.memory_space<semaphore_mem>>)
    %dma_wait3A_279 = arith.constant 7 : i32
    %dma_wait3A_280 = arith.constant 7 : i32
    %dma_wait3A_281 = arith.constant 0 : i32
    %dma_wait3A_282 = tpu.memref_slice %arg5[%dma_wait3A_280, %dma_wait3A_281] : memref<8x128xi32, #tpu.memory_space<vmem>> -> memref<1x128xi32, #tpu.memory_space<vmem>>
    %dma_wait3A_283 = tpu.memref_squeeze %dma_wait3A_282 : memref<1x128xi32, #tpu.memory_space<vmem>> -> memref<128xi32, #tpu.memory_space<vmem>>
    %dma_wait3A_284 = arith.constant 0 : i32
    %dma_wait3A_285 = tpu.memref_slice %arg3[%add3A, %dma_wait3A_279, %dma_wait3A_284] : memref<16x8x128xi32, #tpu.memory_space<hbm>> -> memref<1x1x128xi32, #tpu.memory_space<hbm>>
    %dma_wait3A_286 = tpu.memref_squeeze %dma_wait3A_285 : memref<1x1x128xi32, #tpu.memory_space<hbm>> -> memref<128xi32, #tpu.memory_space<hbm>>
    %dma_wait3A_287 = arith.constant 0 : i32
    %dma_wait3A_288 = tpu.memref_slice %arg5[%dma_wait3A_280, %dma_wait3A_287] : memref<8x128xi32, #tpu.memory_space<vmem>> -> memref<1x128xi32, #tpu.memory_space<vmem>>
    %dma_wait3A_289 = tpu.memref_squeeze %dma_wait3A_288 : memref<1x128xi32, #tpu.memory_space<vmem>> -> memref<128xi32, #tpu.memory_space<vmem>>
    %dma_wait3A_290 = arith.constant 0 : i32
    %dma_wait3A_291 = tpu.memref_slice %arg3[%add3A, %dma_wait3A_279, %dma_wait3A_290] : memref<16x8x128xi32, #tpu.memory_space<hbm>> -> memref<1x1x128xi32, #tpu.memory_space<hbm>>
    %dma_wait3A_292 = tpu.memref_squeeze %dma_wait3A_291 : memref<1x1x128xi32, #tpu.memory_space<hbm>> -> memref<128xi32, #tpu.memory_space<hbm>>
    tpu.wait_dma2 semaphore(%arg14 : memref<!tpu.dma_semaphore, #tpu.memory_space<semaphore_mem>>) src(%dma_wait3A_292 : memref<128xi32, #tpu.memory_space<hbm>>) dst(%dma_wait3A_289 : memref<128xi32, #tpu.memory_space<vmem>>)
    %dma_start3A_293 = arith.constant 7 : i32
    %dma_start3A_294 = arith.constant 7 : i32
    %dma_start3A_295 = arith.constant 0 : i32
    %dma_start3A_296 = tpu.memref_slice %arg6[%dma_start3A_294, %dma_start3A_295] : memref<8x128xf32, #tpu.memory_space<vmem>> -> memref<1x128xf32, #tpu.memory_space<vmem>>
    %dma_start3A_297 = tpu.memref_squeeze %dma_start3A_296 : memref<1x128xf32, #tpu.memory_space<vmem>> -> memref<128xf32, #tpu.memory_space<vmem>>
    %dma_start3A_298 = arith.constant 0 : i32
    %dma_start3A_299 = tpu.memref_slice %arg5[%dma_start3A_293, %dma_start3A_298] : memref<8x128xi32, #tpu.memory_space<vmem>> -> memref<1x128xi32, #tpu.memory_space<vmem>>
    %dma_start3A_300 = tpu.memref_squeeze %dma_start3A_299 : memref<1x128xi32, #tpu.memory_space<vmem>> -> memref<128xi32, #tpu.memory_space<vmem>>
    %dma_start3A_301 = arith.constant 0 : i32
    %dma_start3A_302 = tpu.memref_slice %arg2[%dma_start3A_301] : memref<100000xf32, #tpu.memory_space<hbm>> -> memref<100000xf32, #tpu.memory_space<hbm>>
    tpu.enqueue_indirect_dma source(%dma_start3A_302 : memref<100000xf32, #tpu.memory_space<hbm>>) target(%dma_start3A_297 : memref<128xf32, #tpu.memory_space<vmem>>) offsets(%dma_start3A_300 : memref<128xi32, #tpu.memory_space<vmem>>) semaphore(%arg22 : memref<!tpu.dma_semaphore, #tpu.memory_space<semaphore_mem>>)
    %dma_wait3A_303 = arith.constant 0 : i32
    %dma_wait3A_304 = arith.constant 0 : i32
    %dma_wait3A_305 = arith.constant 0 : i32
    %dma_wait3A_306 = tpu.memref_slice %arg6[%dma_wait3A_304, %dma_wait3A_305] : memref<8x128xf32, #tpu.memory_space<vmem>> -> memref<1x128xf32, #tpu.memory_space<vmem>>
    %dma_wait3A_307 = tpu.memref_squeeze %dma_wait3A_306 : memref<1x128xf32, #tpu.memory_space<vmem>> -> memref<128xf32, #tpu.memory_space<vmem>>
    %dma_wait3A_308 = arith.constant 0 : i32
    %dma_wait3A_309 = tpu.memref_slice %arg5[%dma_wait3A_303, %dma_wait3A_308] : memref<8x128xi32, #tpu.memory_space<vmem>> -> memref<1x128xi32, #tpu.memory_space<vmem>>
    %dma_wait3A_310 = tpu.memref_squeeze %dma_wait3A_309 : memref<1x128xi32, #tpu.memory_space<vmem>> -> memref<128xi32, #tpu.memory_space<vmem>>
    %dma_wait3A_311 = arith.constant 0 : i32
    %dma_wait3A_312 = tpu.memref_slice %arg2[%dma_wait3A_311] : memref<100000xf32, #tpu.memory_space<hbm>> -> memref<100000xf32, #tpu.memory_space<hbm>>
    tpu.wait_indirect_dma semaphore(%arg15 : memref<!tpu.dma_semaphore, #tpu.memory_space<semaphore_mem>>) src(%dma_wait3A_312 : memref<100000xf32, #tpu.memory_space<hbm>>) dst(%dma_wait3A_307 : memref<128xf32, #tpu.memory_space<vmem>>)
    %dma_start3A_313 = arith.constant 0 : i32
    %dma_start3A_314 = arith.constant 0 : i32
    %dma_start3A_315 = arith.constant 0 : i32
    %dma_start3A_316 = tpu.memref_slice %arg6[%dma_start3A_313, %dma_start3A_315] : memref<8x128xf32, #tpu.memory_space<vmem>> -> memref<1x128xf32, #tpu.memory_space<vmem>>
    %dma_start3A_317 = tpu.memref_squeeze %dma_start3A_316 : memref<1x128xf32, #tpu.memory_space<vmem>> -> memref<128xf32, #tpu.memory_space<vmem>>
    %dma_start3A_318 = arith.constant 0 : i32
    %dma_start3A_319 = tpu.memref_slice %arg4[%add3A, %dma_start3A_314, %dma_start3A_318] : memref<16x8x128xf32, #tpu.memory_space<hbm>> -> memref<1x1x128xf32, #tpu.memory_space<hbm>>
    %dma_start3A_320 = tpu.memref_squeeze %dma_start3A_319 : memref<1x1x128xf32, #tpu.memory_space<hbm>> -> memref<128xf32, #tpu.memory_space<hbm>>
    %dma_start3A_321 = arith.constant 0 : i32
    %dma_start3A_322 = tpu.memref_slice %arg4[%add3A, %dma_start3A_314, %dma_start3A_321] : memref<16x8x128xf32, #tpu.memory_space<hbm>> -> memref<1x1x128xf32, #tpu.memory_space<hbm>>
    %dma_start3A_323 = tpu.memref_squeeze %dma_start3A_322 : memref<1x1x128xf32, #tpu.memory_space<hbm>> -> memref<128xf32, #tpu.memory_space<hbm>>
    %dma_start3A_324 = arith.constant 0 : i32
    %dma_start3A_325 = tpu.memref_slice %arg6[%dma_start3A_313, %dma_start3A_324] : memref<8x128xf32, #tpu.memory_space<vmem>> -> memref<1x128xf32, #tpu.memory_space<vmem>>
    %dma_start3A_326 = tpu.memref_squeeze %dma_start3A_325 : memref<1x128xf32, #tpu.memory_space<vmem>> -> memref<128xf32, #tpu.memory_space<vmem>>
    tpu.enqueue_dma source(%dma_start3A_326 : memref<128xf32, #tpu.memory_space<vmem>>) target(%dma_start3A_323 : memref<128xf32, #tpu.memory_space<hbm>>) target_semaphore(%arg23 : memref<!tpu.dma_semaphore, #tpu.memory_space<semaphore_mem>>)
    %dma_wait3A_327 = arith.constant 1 : i32
    %dma_wait3A_328 = arith.constant 1 : i32
    %dma_wait3A_329 = arith.constant 0 : i32
    %dma_wait3A_330 = tpu.memref_slice %arg6[%dma_wait3A_328, %dma_wait3A_329] : memref<8x128xf32, #tpu.memory_space<vmem>> -> memref<1x128xf32, #tpu.memory_space<vmem>>
    %dma_wait3A_331 = tpu.memref_squeeze %dma_wait3A_330 : memref<1x128xf32, #tpu.memory_space<vmem>> -> memref<128xf32, #tpu.memory_space<vmem>>
    %dma_wait3A_332 = arith.constant 0 : i32
    %dma_wait3A_333 = tpu.memref_slice %arg5[%dma_wait3A_327, %dma_wait3A_332] : memref<8x128xi32, #tpu.memory_space<vmem>> -> memref<1x128xi32, #tpu.memory_space<vmem>>
    %dma_wait3A_334 = tpu.memref_squeeze %dma_wait3A_333 : memref<1x128xi32, #tpu.memory_space<vmem>> -> memref<128xi32, #tpu.memory_space<vmem>>
    %dma_wait3A_335 = arith.constant 0 : i32
    %dma_wait3A_336 = tpu.memref_slice %arg2[%dma_wait3A_335] : memref<100000xf32, #tpu.memory_space<hbm>> -> memref<100000xf32, #tpu.memory_space<hbm>>
    tpu.wait_indirect_dma semaphore(%arg16 : memref<!tpu.dma_semaphore, #tpu.memory_space<semaphore_mem>>) src(%dma_wait3A_336 : memref<100000xf32, #tpu.memory_space<hbm>>) dst(%dma_wait3A_331 : memref<128xf32, #tpu.memory_space<vmem>>)
    %dma_start3A_337 = arith.constant 1 : i32
    %dma_start3A_338 = arith.constant 1 : i32
    %dma_start3A_339 = arith.constant 0 : i32
    %dma_start3A_340 = tpu.memref_slice %arg6[%dma_start3A_337, %dma_start3A_339] : memref<8x128xf32, #tpu.memory_space<vmem>> -> memref<1x128xf32, #tpu.memory_space<vmem>>
    %dma_start3A_341 = tpu.memref_squeeze %dma_start3A_340 : memref<1x128xf32, #tpu.memory_space<vmem>> -> memref<128xf32, #tpu.memory_space<vmem>>
    %dma_start3A_342 = arith.constant 0 : i32
    %dma_start3A_343 = tpu.memref_slice %arg4[%add3A, %dma_start3A_338, %dma_start3A_342] : memref<16x8x128xf32, #tpu.memory_space<hbm>> -> memref<1x1x128xf32, #tpu.memory_space<hbm>>
    %dma_start3A_344 = tpu.memref_squeeze %dma_start3A_343 : memref<1x1x128xf32, #tpu.memory_space<hbm>> -> memref<128xf32, #tpu.memory_space<hbm>>
    %dma_start3A_345 = arith.constant 0 : i32
    %dma_start3A_346 = tpu.memref_slice %arg4[%add3A, %dma_start3A_338, %dma_start3A_345] : memref<16x8x128xf32, #tpu.memory_space<hbm>> -> memref<1x1x128xf32, #tpu.memory_space<hbm>>
    %dma_start3A_347 = tpu.memref_squeeze %dma_start3A_346 : memref<1x1x128xf32, #tpu.memory_space<hbm>> -> memref<128xf32, #tpu.memory_space<hbm>>
    %dma_start3A_348 = arith.constant 0 : i32
    %dma_start3A_349 = tpu.memref_slice %arg6[%dma_start3A_337, %dma_start3A_348] : memref<8x128xf32, #tpu.memory_space<vmem>> -> memref<1x128xf32, #tpu.memory_space<vmem>>
    %dma_start3A_350 = tpu.memref_squeeze %dma_start3A_349 : memref<1x128xf32, #tpu.memory_space<vmem>> -> memref<128xf32, #tpu.memory_space<vmem>>
    tpu.enqueue_dma source(%dma_start3A_350 : memref<128xf32, #tpu.memory_space<vmem>>) target(%dma_start3A_347 : memref<128xf32, #tpu.memory_space<hbm>>) target_semaphore(%arg24 : memref<!tpu.dma_semaphore, #tpu.memory_space<semaphore_mem>>)
    %dma_wait3A_351 = arith.constant 2 : i32
    %dma_wait3A_352 = arith.constant 2 : i32
    %dma_wait3A_353 = arith.constant 0 : i32
    %dma_wait3A_354 = tpu.memref_slice %arg6[%dma_wait3A_352, %dma_wait3A_353] : memref<8x128xf32, #tpu.memory_space<vmem>> -> memref<1x128xf32, #tpu.memory_space<vmem>>
    %dma_wait3A_355 = tpu.memref_squeeze %dma_wait3A_354 : memref<1x128xf32, #tpu.memory_space<vmem>> -> memref<128xf32, #tpu.memory_space<vmem>>
    %dma_wait3A_356 = arith.constant 0 : i32
    %dma_wait3A_357 = tpu.memref_slice %arg5[%dma_wait3A_351, %dma_wait3A_356] : memref<8x128xi32, #tpu.memory_space<vmem>> -> memref<1x128xi32, #tpu.memory_space<vmem>>
    %dma_wait3A_358 = tpu.memref_squeeze %dma_wait3A_357 : memref<1x128xi32, #tpu.memory_space<vmem>> -> memref<128xi32, #tpu.memory_space<vmem>>
    %dma_wait3A_359 = arith.constant 0 : i32
    %dma_wait3A_360 = tpu.memref_slice %arg2[%dma_wait3A_359] : memref<100000xf32, #tpu.memory_space<hbm>> -> memref<100000xf32, #tpu.memory_space<hbm>>
    tpu.wait_indirect_dma semaphore(%arg17 : memref<!tpu.dma_semaphore, #tpu.memory_space<semaphore_mem>>) src(%dma_wait3A_360 : memref<100000xf32, #tpu.memory_space<hbm>>) dst(%dma_wait3A_355 : memref<128xf32, #tpu.memory_space<vmem>>)
    %dma_start3A_361 = arith.constant 2 : i32
    %dma_start3A_362 = arith.constant 2 : i32
    %dma_start3A_363 = arith.constant 0 : i32
    %dma_start3A_364 = tpu.memref_slice %arg6[%dma_start3A_361, %dma_start3A_363] : memref<8x128xf32, #tpu.memory_space<vmem>> -> memref<1x128xf32, #tpu.memory_space<vmem>>
    %dma_start3A_365 = tpu.memref_squeeze %dma_start3A_364 : memref<1x128xf32, #tpu.memory_space<vmem>> -> memref<128xf32, #tpu.memory_space<vmem>>
    %dma_start3A_366 = arith.constant 0 : i32
    %dma_start3A_367 = tpu.memref_slice %arg4[%add3A, %dma_start3A_362, %dma_start3A_366] : memref<16x8x128xf32, #tpu.memory_space<hbm>> -> memref<1x1x128xf32, #tpu.memory_space<hbm>>
    %dma_start3A_368 = tpu.memref_squeeze %dma_start3A_367 : memref<1x1x128xf32, #tpu.memory_space<hbm>> -> memref<128xf32, #tpu.memory_space<hbm>>
    %dma_start3A_369 = arith.constant 0 : i32
    %dma_start3A_370 = tpu.memref_slice %arg4[%add3A, %dma_start3A_362, %dma_start3A_369] : memref<16x8x128xf32, #tpu.memory_space<hbm>> -> memref<1x1x128xf32, #tpu.memory_space<hbm>>
    %dma_start3A_371 = tpu.memref_squeeze %dma_start3A_370 : memref<1x1x128xf32, #tpu.memory_space<hbm>> -> memref<128xf32, #tpu.memory_space<hbm>>
    %dma_start3A_372 = arith.constant 0 : i32
    %dma_start3A_373 = tpu.memref_slice %arg6[%dma_start3A_361, %dma_start3A_372] : memref<8x128xf32, #tpu.memory_space<vmem>> -> memref<1x128xf32, #tpu.memory_space<vmem>>
    %dma_start3A_374 = tpu.memref_squeeze %dma_start3A_373 : memref<1x128xf32, #tpu.memory_space<vmem>> -> memref<128xf32, #tpu.memory_space<vmem>>
    tpu.enqueue_dma source(%dma_start3A_374 : memref<128xf32, #tpu.memory_space<vmem>>) target(%dma_start3A_371 : memref<128xf32, #tpu.memory_space<hbm>>) target_semaphore(%arg25 : memref<!tpu.dma_semaphore, #tpu.memory_space<semaphore_mem>>)
    %dma_wait3A_375 = arith.constant 3 : i32
    %dma_wait3A_376 = arith.constant 3 : i32
    %dma_wait3A_377 = arith.constant 0 : i32
    %dma_wait3A_378 = tpu.memref_slice %arg6[%dma_wait3A_376, %dma_wait3A_377] : memref<8x128xf32, #tpu.memory_space<vmem>> -> memref<1x128xf32, #tpu.memory_space<vmem>>
    %dma_wait3A_379 = tpu.memref_squeeze %dma_wait3A_378 : memref<1x128xf32, #tpu.memory_space<vmem>> -> memref<128xf32, #tpu.memory_space<vmem>>
    %dma_wait3A_380 = arith.constant 0 : i32
    %dma_wait3A_381 = tpu.memref_slice %arg5[%dma_wait3A_375, %dma_wait3A_380] : memref<8x128xi32, #tpu.memory_space<vmem>> -> memref<1x128xi32, #tpu.memory_space<vmem>>
    %dma_wait3A_382 = tpu.memref_squeeze %dma_wait3A_381 : memref<1x128xi32, #tpu.memory_space<vmem>> -> memref<128xi32, #tpu.memory_space<vmem>>
    %dma_wait3A_383 = arith.constant 0 : i32
    %dma_wait3A_384 = tpu.memref_slice %arg2[%dma_wait3A_383] : memref<100000xf32, #tpu.memory_space<hbm>> -> memref<100000xf32, #tpu.memory_space<hbm>>
    tpu.wait_indirect_dma semaphore(%arg18 : memref<!tpu.dma_semaphore, #tpu.memory_space<semaphore_mem>>) src(%dma_wait3A_384 : memref<100000xf32, #tpu.memory_space<hbm>>) dst(%dma_wait3A_379 : memref<128xf32, #tpu.memory_space<vmem>>)
    %dma_start3A_385 = arith.constant 3 : i32
    %dma_start3A_386 = arith.constant 3 : i32
    %dma_start3A_387 = arith.constant 0 : i32
    %dma_start3A_388 = tpu.memref_slice %arg6[%dma_start3A_385, %dma_start3A_387] : memref<8x128xf32, #tpu.memory_space<vmem>> -> memref<1x128xf32, #tpu.memory_space<vmem>>
    %dma_start3A_389 = tpu.memref_squeeze %dma_start3A_388 : memref<1x128xf32, #tpu.memory_space<vmem>> -> memref<128xf32, #tpu.memory_space<vmem>>
    %dma_start3A_390 = arith.constant 0 : i32
    %dma_start3A_391 = tpu.memref_slice %arg4[%add3A, %dma_start3A_386, %dma_start3A_390] : memref<16x8x128xf32, #tpu.memory_space<hbm>> -> memref<1x1x128xf32, #tpu.memory_space<hbm>>
    %dma_start3A_392 = tpu.memref_squeeze %dma_start3A_391 : memref<1x1x128xf32, #tpu.memory_space<hbm>> -> memref<128xf32, #tpu.memory_space<hbm>>
    %dma_start3A_393 = arith.constant 0 : i32
    %dma_start3A_394 = tpu.memref_slice %arg4[%add3A, %dma_start3A_386, %dma_start3A_393] : memref<16x8x128xf32, #tpu.memory_space<hbm>> -> memref<1x1x128xf32, #tpu.memory_space<hbm>>
    %dma_start3A_395 = tpu.memref_squeeze %dma_start3A_394 : memref<1x1x128xf32, #tpu.memory_space<hbm>> -> memref<128xf32, #tpu.memory_space<hbm>>
    %dma_start3A_396 = arith.constant 0 : i32
    %dma_start3A_397 = tpu.memref_slice %arg6[%dma_start3A_385, %dma_start3A_396] : memref<8x128xf32, #tpu.memory_space<vmem>> -> memref<1x128xf32, #tpu.memory_space<vmem>>
    %dma_start3A_398 = tpu.memref_squeeze %dma_start3A_397 : memref<1x128xf32, #tpu.memory_space<vmem>> -> memref<128xf32, #tpu.memory_space<vmem>>
    tpu.enqueue_dma source(%dma_start3A_398 : memref<128xf32, #tpu.memory_space<vmem>>) target(%dma_start3A_395 : memref<128xf32, #tpu.memory_space<hbm>>) target_semaphore(%arg26 : memref<!tpu.dma_semaphore, #tpu.memory_space<semaphore_mem>>)
    %dma_wait3A_399 = arith.constant 4 : i32
    %dma_wait3A_400 = arith.constant 4 : i32
    %dma_wait3A_401 = arith.constant 0 : i32
    %dma_wait3A_402 = tpu.memref_slice %arg6[%dma_wait3A_400, %dma_wait3A_401] : memref<8x128xf32, #tpu.memory_space<vmem>> -> memref<1x128xf32, #tpu.memory_space<vmem>>
    %dma_wait3A_403 = tpu.memref_squeeze %dma_wait3A_402 : memref<1x128xf32, #tpu.memory_space<vmem>> -> memref<128xf32, #tpu.memory_space<vmem>>
    %dma_wait3A_404 = arith.constant 0 : i32
    %dma_wait3A_405 = tpu.memref_slice %arg5[%dma_wait3A_399, %dma_wait3A_404] : memref<8x128xi32, #tpu.memory_space<vmem>> -> memref<1x128xi32, #tpu.memory_space<vmem>>
    %dma_wait3A_406 = tpu.memref_squeeze %dma_wait3A_405 : memref<1x128xi32, #tpu.memory_space<vmem>> -> memref<128xi32, #tpu.memory_space<vmem>>
    %dma_wait3A_407 = arith.constant 0 : i32
    %dma_wait3A_408 = tpu.memref_slice %arg2[%dma_wait3A_407] : memref<100000xf32, #tpu.memory_space<hbm>> -> memref<100000xf32, #tpu.memory_space<hbm>>
    tpu.wait_indirect_dma semaphore(%arg19 : memref<!tpu.dma_semaphore, #tpu.memory_space<semaphore_mem>>) src(%dma_wait3A_408 : memref<100000xf32, #tpu.memory_space<hbm>>) dst(%dma_wait3A_403 : memref<128xf32, #tpu.memory_space<vmem>>)
    %dma_start3A_409 = arith.constant 4 : i32
    %dma_start3A_410 = arith.constant 4 : i32
    %dma_start3A_411 = arith.constant 0 : i32
    %dma_start3A_412 = tpu.memref_slice %arg6[%dma_start3A_409, %dma_start3A_411] : memref<8x128xf32, #tpu.memory_space<vmem>> -> memref<1x128xf32, #tpu.memory_space<vmem>>
    %dma_start3A_413 = tpu.memref_squeeze %dma_start3A_412 : memref<1x128xf32, #tpu.memory_space<vmem>> -> memref<128xf32, #tpu.memory_space<vmem>>
    %dma_start3A_414 = arith.constant 0 : i32
    %dma_start3A_415 = tpu.memref_slice %arg4[%add3A, %dma_start3A_410, %dma_start3A_414] : memref<16x8x128xf32, #tpu.memory_space<hbm>> -> memref<1x1x128xf32, #tpu.memory_space<hbm>>
    %dma_start3A_416 = tpu.memref_squeeze %dma_start3A_415 : memref<1x1x128xf32, #tpu.memory_space<hbm>> -> memref<128xf32, #tpu.memory_space<hbm>>
    %dma_start3A_417 = arith.constant 0 : i32
    %dma_start3A_418 = tpu.memref_slice %arg4[%add3A, %dma_start3A_410, %dma_start3A_417] : memref<16x8x128xf32, #tpu.memory_space<hbm>> -> memref<1x1x128xf32, #tpu.memory_space<hbm>>
    %dma_start3A_419 = tpu.memref_squeeze %dma_start3A_418 : memref<1x1x128xf32, #tpu.memory_space<hbm>> -> memref<128xf32, #tpu.memory_space<hbm>>
    %dma_start3A_420 = arith.constant 0 : i32
    %dma_start3A_421 = tpu.memref_slice %arg6[%dma_start3A_409, %dma_start3A_420] : memref<8x128xf32, #tpu.memory_space<vmem>> -> memref<1x128xf32, #tpu.memory_space<vmem>>
    %dma_start3A_422 = tpu.memref_squeeze %dma_start3A_421 : memref<1x128xf32, #tpu.memory_space<vmem>> -> memref<128xf32, #tpu.memory_space<vmem>>
    tpu.enqueue_dma source(%dma_start3A_422 : memref<128xf32, #tpu.memory_space<vmem>>) target(%dma_start3A_419 : memref<128xf32, #tpu.memory_space<hbm>>) target_semaphore(%arg27 : memref<!tpu.dma_semaphore, #tpu.memory_space<semaphore_mem>>)
    %dma_wait3A_423 = arith.constant 5 : i32
    %dma_wait3A_424 = arith.constant 5 : i32
    %dma_wait3A_425 = arith.constant 0 : i32
    %dma_wait3A_426 = tpu.memref_slice %arg6[%dma_wait3A_424, %dma_wait3A_425] : memref<8x128xf32, #tpu.memory_space<vmem>> -> memref<1x128xf32, #tpu.memory_space<vmem>>
    %dma_wait3A_427 = tpu.memref_squeeze %dma_wait3A_426 : memref<1x128xf32, #tpu.memory_space<vmem>> -> memref<128xf32, #tpu.memory_space<vmem>>
    %dma_wait3A_428 = arith.constant 0 : i32
    %dma_wait3A_429 = tpu.memref_slice %arg5[%dma_wait3A_423, %dma_wait3A_428] : memref<8x128xi32, #tpu.memory_space<vmem>> -> memref<1x128xi32, #tpu.memory_space<vmem>>
    %dma_wait3A_430 = tpu.memref_squeeze %dma_wait3A_429 : memref<1x128xi32, #tpu.memory_space<vmem>> -> memref<128xi32, #tpu.memory_space<vmem>>
    %dma_wait3A_431 = arith.constant 0 : i32
    %dma_wait3A_432 = tpu.memref_slice %arg2[%dma_wait3A_431] : memref<100000xf32, #tpu.memory_space<hbm>> -> memref<100000xf32, #tpu.memory_space<hbm>>
    tpu.wait_indirect_dma semaphore(%arg20 : memref<!tpu.dma_semaphore, #tpu.memory_space<semaphore_mem>>) src(%dma_wait3A_432 : memref<100000xf32, #tpu.memory_space<hbm>>) dst(%dma_wait3A_427 : memref<128xf32, #tpu.memory_space<vmem>>)
    %dma_start3A_433 = arith.constant 5 : i32
    %dma_start3A_434 = arith.constant 5 : i32
    %dma_start3A_435 = arith.constant 0 : i32
    %dma_start3A_436 = tpu.memref_slice %arg6[%dma_start3A_433, %dma_start3A_435] : memref<8x128xf32, #tpu.memory_space<vmem>> -> memref<1x128xf32, #tpu.memory_space<vmem>>
    %dma_start3A_437 = tpu.memref_squeeze %dma_start3A_436 : memref<1x128xf32, #tpu.memory_space<vmem>> -> memref<128xf32, #tpu.memory_space<vmem>>
    %dma_start3A_438 = arith.constant 0 : i32
    %dma_start3A_439 = tpu.memref_slice %arg4[%add3A, %dma_start3A_434, %dma_start3A_438] : memref<16x8x128xf32, #tpu.memory_space<hbm>> -> memref<1x1x128xf32, #tpu.memory_space<hbm>>
    %dma_start3A_440 = tpu.memref_squeeze %dma_start3A_439 : memref<1x1x128xf32, #tpu.memory_space<hbm>> -> memref<128xf32, #tpu.memory_space<hbm>>
    %dma_start3A_441 = arith.constant 0 : i32
    %dma_start3A_442 = tpu.memref_slice %arg4[%add3A, %dma_start3A_434, %dma_start3A_441] : memref<16x8x128xf32, #tpu.memory_space<hbm>> -> memref<1x1x128xf32, #tpu.memory_space<hbm>>
    %dma_start3A_443 = tpu.memref_squeeze %dma_start3A_442 : memref<1x1x128xf32, #tpu.memory_space<hbm>> -> memref<128xf32, #tpu.memory_space<hbm>>
    %dma_start3A_444 = arith.constant 0 : i32
    %dma_start3A_445 = tpu.memref_slice %arg6[%dma_start3A_433, %dma_start3A_444] : memref<8x128xf32, #tpu.memory_space<vmem>> -> memref<1x128xf32, #tpu.memory_space<vmem>>
    %dma_start3A_446 = tpu.memref_squeeze %dma_start3A_445 : memref<1x128xf32, #tpu.memory_space<vmem>> -> memref<128xf32, #tpu.memory_space<vmem>>
    tpu.enqueue_dma source(%dma_start3A_446 : memref<128xf32, #tpu.memory_space<vmem>>) target(%dma_start3A_443 : memref<128xf32, #tpu.memory_space<hbm>>) target_semaphore(%arg28 : memref<!tpu.dma_semaphore, #tpu.memory_space<semaphore_mem>>)
    %dma_wait3A_447 = arith.constant 6 : i32
    %dma_wait3A_448 = arith.constant 6 : i32
    %dma_wait3A_449 = arith.constant 0 : i32
    %dma_wait3A_450 = tpu.memref_slice %arg6[%dma_wait3A_448, %dma_wait3A_449] : memref<8x128xf32, #tpu.memory_space<vmem>> -> memref<1x128xf32, #tpu.memory_space<vmem>>
    %dma_wait3A_451 = tpu.memref_squeeze %dma_wait3A_450 : memref<1x128xf32, #tpu.memory_space<vmem>> -> memref<128xf32, #tpu.memory_space<vmem>>
    %dma_wait3A_452 = arith.constant 0 : i32
    %dma_wait3A_453 = tpu.memref_slice %arg5[%dma_wait3A_447, %dma_wait3A_452] : memref<8x128xi32, #tpu.memory_space<vmem>> -> memref<1x128xi32, #tpu.memory_space<vmem>>
    %dma_wait3A_454 = tpu.memref_squeeze %dma_wait3A_453 : memref<1x128xi32, #tpu.memory_space<vmem>> -> memref<128xi32, #tpu.memory_space<vmem>>
    %dma_wait3A_455 = arith.constant 0 : i32
    %dma_wait3A_456 = tpu.memref_slice %arg2[%dma_wait3A_455] : memref<100000xf32, #tpu.memory_space<hbm>> -> memref<100000xf32, #tpu.memory_space<hbm>>
    tpu.wait_indirect_dma semaphore(%arg21 : memref<!tpu.dma_semaphore, #tpu.memory_space<semaphore_mem>>) src(%dma_wait3A_456 : memref<100000xf32, #tpu.memory_space<hbm>>) dst(%dma_wait3A_451 : memref<128xf32, #tpu.memory_space<vmem>>)
    %dma_start3A_457 = arith.constant 6 : i32
    %dma_start3A_458 = arith.constant 6 : i32
    %dma_start3A_459 = arith.constant 0 : i32
    %dma_start3A_460 = tpu.memref_slice %arg6[%dma_start3A_457, %dma_start3A_459] : memref<8x128xf32, #tpu.memory_space<vmem>> -> memref<1x128xf32, #tpu.memory_space<vmem>>
    %dma_start3A_461 = tpu.memref_squeeze %dma_start3A_460 : memref<1x128xf32, #tpu.memory_space<vmem>> -> memref<128xf32, #tpu.memory_space<vmem>>
    %dma_start3A_462 = arith.constant 0 : i32
    %dma_start3A_463 = tpu.memref_slice %arg4[%add3A, %dma_start3A_458, %dma_start3A_462] : memref<16x8x128xf32, #tpu.memory_space<hbm>> -> memref<1x1x128xf32, #tpu.memory_space<hbm>>
    %dma_start3A_464 = tpu.memref_squeeze %dma_start3A_463 : memref<1x1x128xf32, #tpu.memory_space<hbm>> -> memref<128xf32, #tpu.memory_space<hbm>>
    %dma_start3A_465 = arith.constant 0 : i32
    %dma_start3A_466 = tpu.memref_slice %arg4[%add3A, %dma_start3A_458, %dma_start3A_465] : memref<16x8x128xf32, #tpu.memory_space<hbm>> -> memref<1x1x128xf32, #tpu.memory_space<hbm>>
    %dma_start3A_467 = tpu.memref_squeeze %dma_start3A_466 : memref<1x1x128xf32, #tpu.memory_space<hbm>> -> memref<128xf32, #tpu.memory_space<hbm>>
    %dma_start3A_468 = arith.constant 0 : i32
    %dma_start3A_469 = tpu.memref_slice %arg6[%dma_start3A_457, %dma_start3A_468] : memref<8x128xf32, #tpu.memory_space<vmem>> -> memref<1x128xf32, #tpu.memory_space<vmem>>
    %dma_start3A_470 = tpu.memref_squeeze %dma_start3A_469 : memref<1x128xf32, #tpu.memory_space<vmem>> -> memref<128xf32, #tpu.memory_space<vmem>>
    tpu.enqueue_dma source(%dma_start3A_470 : memref<128xf32, #tpu.memory_space<vmem>>) target(%dma_start3A_467 : memref<128xf32, #tpu.memory_space<hbm>>) target_semaphore(%arg29 : memref<!tpu.dma_semaphore, #tpu.memory_space<semaphore_mem>>)
    %dma_wait3A_471 = arith.constant 7 : i32
    %dma_wait3A_472 = arith.constant 7 : i32
    %dma_wait3A_473 = arith.constant 0 : i32
    %dma_wait3A_474 = tpu.memref_slice %arg6[%dma_wait3A_472, %dma_wait3A_473] : memref<8x128xf32, #tpu.memory_space<vmem>> -> memref<1x128xf32, #tpu.memory_space<vmem>>
    %dma_wait3A_475 = tpu.memref_squeeze %dma_wait3A_474 : memref<1x128xf32, #tpu.memory_space<vmem>> -> memref<128xf32, #tpu.memory_space<vmem>>
    %dma_wait3A_476 = arith.constant 0 : i32
    %dma_wait3A_477 = tpu.memref_slice %arg5[%dma_wait3A_471, %dma_wait3A_476] : memref<8x128xi32, #tpu.memory_space<vmem>> -> memref<1x128xi32, #tpu.memory_space<vmem>>
    %dma_wait3A_478 = tpu.memref_squeeze %dma_wait3A_477 : memref<1x128xi32, #tpu.memory_space<vmem>> -> memref<128xi32, #tpu.memory_space<vmem>>
    %dma_wait3A_479 = arith.constant 0 : i32
    %dma_wait3A_480 = tpu.memref_slice %arg2[%dma_wait3A_479] : memref<100000xf32, #tpu.memory_space<hbm>> -> memref<100000xf32, #tpu.memory_space<hbm>>
    tpu.wait_indirect_dma semaphore(%arg22 : memref<!tpu.dma_semaphore, #tpu.memory_space<semaphore_mem>>) src(%dma_wait3A_480 : memref<100000xf32, #tpu.memory_space<hbm>>) dst(%dma_wait3A_475 : memref<128xf32, #tpu.memory_space<vmem>>)
    %dma_start3A_481 = arith.constant 7 : i32
    %dma_start3A_482 = arith.constant 7 : i32
    %dma_start3A_483 = arith.constant 0 : i32
    %dma_start3A_484 = tpu.memref_slice %arg6[%dma_start3A_481, %dma_start3A_483] : memref<8x128xf32, #tpu.memory_space<vmem>> -> memref<1x128xf32, #tpu.memory_space<vmem>>
    %dma_start3A_485 = tpu.memref_squeeze %dma_start3A_484 : memref<1x128xf32, #tpu.memory_space<vmem>> -> memref<128xf32, #tpu.memory_space<vmem>>
    %dma_start3A_486 = arith.constant 0 : i32
    %dma_start3A_487 = tpu.memref_slice %arg4[%add3A, %dma_start3A_482, %dma_start3A_486] : memref<16x8x128xf32, #tpu.memory_space<hbm>> -> memref<1x1x128xf32, #tpu.memory_space<hbm>>
    %dma_start3A_488 = tpu.memref_squeeze %dma_start3A_487 : memref<1x1x128xf32, #tpu.memory_space<hbm>> -> memref<128xf32, #tpu.memory_space<hbm>>
    %dma_start3A_489 = arith.constant 0 : i32
    %dma_start3A_490 = tpu.memref_slice %arg4[%add3A, %dma_start3A_482, %dma_start3A_489] : memref<16x8x128xf32, #tpu.memory_space<hbm>> -> memref<1x1x128xf32, #tpu.memory_space<hbm>>
    %dma_start3A_491 = tpu.memref_squeeze %dma_start3A_490 : memref<1x1x128xf32, #tpu.memory_space<hbm>> -> memref<128xf32, #tpu.memory_space<hbm>>
    %dma_start3A_492 = arith.constant 0 : i32
    %dma_start3A_493 = tpu.memref_slice %arg6[%dma_start3A_481, %dma_start3A_492] : memref<8x128xf32, #tpu.memory_space<vmem>> -> memref<1x128xf32, #tpu.memory_space<vmem>>
    %dma_start3A_494 = tpu.memref_squeeze %dma_start3A_493 : memref<1x128xf32, #tpu.memory_space<vmem>> -> memref<128xf32, #tpu.memory_space<vmem>>
    tpu.enqueue_dma source(%dma_start3A_494 : memref<128xf32, #tpu.memory_space<vmem>>) target(%dma_start3A_491 : memref<128xf32, #tpu.memory_space<hbm>>) target_semaphore(%arg30 : memref<!tpu.dma_semaphore, #tpu.memory_space<semaphore_mem>>)
    %dma_wait3A_495 = arith.constant 0 : i32
    %dma_wait3A_496 = arith.constant 0 : i32
    %dma_wait3A_497 = arith.constant 0 : i32
    %dma_wait3A_498 = tpu.memref_slice %arg6[%dma_wait3A_495, %dma_wait3A_497] : memref<8x128xf32, #tpu.memory_space<vmem>> -> memref<1x128xf32, #tpu.memory_space<vmem>>
    %dma_wait3A_499 = tpu.memref_squeeze %dma_wait3A_498 : memref<1x128xf32, #tpu.memory_space<vmem>> -> memref<128xf32, #tpu.memory_space<vmem>>
    %dma_wait3A_500 = arith.constant 0 : i32
    %dma_wait3A_501 = tpu.memref_slice %arg4[%add3A, %dma_wait3A_496, %dma_wait3A_500] : memref<16x8x128xf32, #tpu.memory_space<hbm>> -> memref<1x1x128xf32, #tpu.memory_space<hbm>>
    %dma_wait3A_502 = tpu.memref_squeeze %dma_wait3A_501 : memref<1x1x128xf32, #tpu.memory_space<hbm>> -> memref<128xf32, #tpu.memory_space<hbm>>
    %dma_wait3A_503 = arith.constant 0 : i32
    %dma_wait3A_504 = tpu.memref_slice %arg4[%add3A, %dma_wait3A_496, %dma_wait3A_503] : memref<16x8x128xf32, #tpu.memory_space<hbm>> -> memref<1x1x128xf32, #tpu.memory_space<hbm>>
    %dma_wait3A_505 = tpu.memref_squeeze %dma_wait3A_504 : memref<1x1x128xf32, #tpu.memory_space<hbm>> -> memref<128xf32, #tpu.memory_space<hbm>>
    %dma_wait3A_506 = arith.constant 0 : i32
    %dma_wait3A_507 = tpu.memref_slice %arg6[%dma_wait3A_495, %dma_wait3A_506] : memref<8x128xf32, #tpu.memory_space<vmem>> -> memref<1x128xf32, #tpu.memory_space<vmem>>
    %dma_wait3A_508 = tpu.memref_squeeze %dma_wait3A_507 : memref<1x128xf32, #tpu.memory_space<vmem>> -> memref<128xf32, #tpu.memory_space<vmem>>
    tpu.wait_dma2 semaphore(%arg23 : memref<!tpu.dma_semaphore, #tpu.memory_space<semaphore_mem>>) src(%dma_wait3A_508 : memref<128xf32, #tpu.memory_space<vmem>>) dst(%dma_wait3A_505 : memref<128xf32, #tpu.memory_space<hbm>>)
    %dma_wait3A_509 = arith.constant 1 : i32
    %dma_wait3A_510 = arith.constant 1 : i32
    %dma_wait3A_511 = arith.constant 0 : i32
    %dma_wait3A_512 = tpu.memref_slice %arg6[%dma_wait3A_509, %dma_wait3A_511] : memref<8x128xf32, #tpu.memory_space<vmem>> -> memref<1x128xf32, #tpu.memory_space<vmem>>
    %dma_wait3A_513 = tpu.memref_squeeze %dma_wait3A_512 : memref<1x128xf32, #tpu.memory_space<vmem>> -> memref<128xf32, #tpu.memory_space<vmem>>
    %dma_wait3A_514 = arith.constant 0 : i32
    %dma_wait3A_515 = tpu.memref_slice %arg4[%add3A, %dma_wait3A_510, %dma_wait3A_514] : memref<16x8x128xf32, #tpu.memory_space<hbm>> -> memref<1x1x128xf32, #tpu.memory_space<hbm>>
    %dma_wait3A_516 = tpu.memref_squeeze %dma_wait3A_515 : memref<1x1x128xf32, #tpu.memory_space<hbm>> -> memref<128xf32, #tpu.memory_space<hbm>>
    %dma_wait3A_517 = arith.constant 0 : i32
    %dma_wait3A_518 = tpu.memref_slice %arg4[%add3A, %dma_wait3A_510, %dma_wait3A_517] : memref<16x8x128xf32, #tpu.memory_space<hbm>> -> memref<1x1x128xf32, #tpu.memory_space<hbm>>
    %dma_wait3A_519 = tpu.memref_squeeze %dma_wait3A_518 : memref<1x1x128xf32, #tpu.memory_space<hbm>> -> memref<128xf32, #tpu.memory_space<hbm>>
    %dma_wait3A_520 = arith.constant 0 : i32
    %dma_wait3A_521 = tpu.memref_slice %arg6[%dma_wait3A_509, %dma_wait3A_520] : memref<8x128xf32, #tpu.memory_space<vmem>> -> memref<1x128xf32, #tpu.memory_space<vmem>>
    %dma_wait3A_522 = tpu.memref_squeeze %dma_wait3A_521 : memref<1x128xf32, #tpu.memory_space<vmem>> -> memref<128xf32, #tpu.memory_space<vmem>>
    tpu.wait_dma2 semaphore(%arg24 : memref<!tpu.dma_semaphore, #tpu.memory_space<semaphore_mem>>) src(%dma_wait3A_522 : memref<128xf32, #tpu.memory_space<vmem>>) dst(%dma_wait3A_519 : memref<128xf32, #tpu.memory_space<hbm>>)
    %dma_wait3A_523 = arith.constant 2 : i32
    %dma_wait3A_524 = arith.constant 2 : i32
    %dma_wait3A_525 = arith.constant 0 : i32
    %dma_wait3A_526 = tpu.memref_slice %arg6[%dma_wait3A_523, %dma_wait3A_525] : memref<8x128xf32, #tpu.memory_space<vmem>> -> memref<1x128xf32, #tpu.memory_space<vmem>>
    %dma_wait3A_527 = tpu.memref_squeeze %dma_wait3A_526 : memref<1x128xf32, #tpu.memory_space<vmem>> -> memref<128xf32, #tpu.memory_space<vmem>>
    %dma_wait3A_528 = arith.constant 0 : i32
    %dma_wait3A_529 = tpu.memref_slice %arg4[%add3A, %dma_wait3A_524, %dma_wait3A_528] : memref<16x8x128xf32, #tpu.memory_space<hbm>> -> memref<1x1x128xf32, #tpu.memory_space<hbm>>
    %dma_wait3A_530 = tpu.memref_squeeze %dma_wait3A_529 : memref<1x1x128xf32, #tpu.memory_space<hbm>> -> memref<128xf32, #tpu.memory_space<hbm>>
    %dma_wait3A_531 = arith.constant 0 : i32
    %dma_wait3A_532 = tpu.memref_slice %arg4[%add3A, %dma_wait3A_524, %dma_wait3A_531] : memref<16x8x128xf32, #tpu.memory_space<hbm>> -> memref<1x1x128xf32, #tpu.memory_space<hbm>>
    %dma_wait3A_533 = tpu.memref_squeeze %dma_wait3A_532 : memref<1x1x128xf32, #tpu.memory_space<hbm>> -> memref<128xf32, #tpu.memory_space<hbm>>
    %dma_wait3A_534 = arith.constant 0 : i32
    %dma_wait3A_535 = tpu.memref_slice %arg6[%dma_wait3A_523, %dma_wait3A_534] : memref<8x128xf32, #tpu.memory_space<vmem>> -> memref<1x128xf32, #tpu.memory_space<vmem>>
    %dma_wait3A_536 = tpu.memref_squeeze %dma_wait3A_535 : memref<1x128xf32, #tpu.memory_space<vmem>> -> memref<128xf32, #tpu.memory_space<vmem>>
    tpu.wait_dma2 semaphore(%arg25 : memref<!tpu.dma_semaphore, #tpu.memory_space<semaphore_mem>>) src(%dma_wait3A_536 : memref<128xf32, #tpu.memory_space<vmem>>) dst(%dma_wait3A_533 : memref<128xf32, #tpu.memory_space<hbm>>)
    %dma_wait3A_537 = arith.constant 3 : i32
    %dma_wait3A_538 = arith.constant 3 : i32
    %dma_wait3A_539 = arith.constant 0 : i32
    %dma_wait3A_540 = tpu.memref_slice %arg6[%dma_wait3A_537, %dma_wait3A_539] : memref<8x128xf32, #tpu.memory_space<vmem>> -> memref<1x128xf32, #tpu.memory_space<vmem>>
    %dma_wait3A_541 = tpu.memref_squeeze %dma_wait3A_540 : memref<1x128xf32, #tpu.memory_space<vmem>> -> memref<128xf32, #tpu.memory_space<vmem>>
    %dma_wait3A_542 = arith.constant 0 : i32
    %dma_wait3A_543 = tpu.memref_slice %arg4[%add3A, %dma_wait3A_538, %dma_wait3A_542] : memref<16x8x128xf32, #tpu.memory_space<hbm>> -> memref<1x1x128xf32, #tpu.memory_space<hbm>>
    %dma_wait3A_544 = tpu.memref_squeeze %dma_wait3A_543 : memref<1x1x128xf32, #tpu.memory_space<hbm>> -> memref<128xf32, #tpu.memory_space<hbm>>
    %dma_wait3A_545 = arith.constant 0 : i32
    %dma_wait3A_546 = tpu.memref_slice %arg4[%add3A, %dma_wait3A_538, %dma_wait3A_545] : memref<16x8x128xf32, #tpu.memory_space<hbm>> -> memref<1x1x128xf32, #tpu.memory_space<hbm>>
    %dma_wait3A_547 = tpu.memref_squeeze %dma_wait3A_546 : memref<1x1x128xf32, #tpu.memory_space<hbm>> -> memref<128xf32, #tpu.memory_space<hbm>>
    %dma_wait3A_548 = arith.constant 0 : i32
    %dma_wait3A_549 = tpu.memref_slice %arg6[%dma_wait3A_537, %dma_wait3A_548] : memref<8x128xf32, #tpu.memory_space<vmem>> -> memref<1x128xf32, #tpu.memory_space<vmem>>
    %dma_wait3A_550 = tpu.memref_squeeze %dma_wait3A_549 : memref<1x128xf32, #tpu.memory_space<vmem>> -> memref<128xf32, #tpu.memory_space<vmem>>
    tpu.wait_dma2 semaphore(%arg26 : memref<!tpu.dma_semaphore, #tpu.memory_space<semaphore_mem>>) src(%dma_wait3A_550 : memref<128xf32, #tpu.memory_space<vmem>>) dst(%dma_wait3A_547 : memref<128xf32, #tpu.memory_space<hbm>>)
    %dma_wait3A_551 = arith.constant 4 : i32
    %dma_wait3A_552 = arith.constant 4 : i32
    %dma_wait3A_553 = arith.constant 0 : i32
    %dma_wait3A_554 = tpu.memref_slice %arg6[%dma_wait3A_551, %dma_wait3A_553] : memref<8x128xf32, #tpu.memory_space<vmem>> -> memref<1x128xf32, #tpu.memory_space<vmem>>
    %dma_wait3A_555 = tpu.memref_squeeze %dma_wait3A_554 : memref<1x128xf32, #tpu.memory_space<vmem>> -> memref<128xf32, #tpu.memory_space<vmem>>
    %dma_wait3A_556 = arith.constant 0 : i32
    %dma_wait3A_557 = tpu.memref_slice %arg4[%add3A, %dma_wait3A_552, %dma_wait3A_556] : memref<16x8x128xf32, #tpu.memory_space<hbm>> -> memref<1x1x128xf32, #tpu.memory_space<hbm>>
    %dma_wait3A_558 = tpu.memref_squeeze %dma_wait3A_557 : memref<1x1x128xf32, #tpu.memory_space<hbm>> -> memref<128xf32, #tpu.memory_space<hbm>>
    %dma_wait3A_559 = arith.constant 0 : i32
    %dma_wait3A_560 = tpu.memref_slice %arg4[%add3A, %dma_wait3A_552, %dma_wait3A_559] : memref<16x8x128xf32, #tpu.memory_space<hbm>> -> memref<1x1x128xf32, #tpu.memory_space<hbm>>
    %dma_wait3A_561 = tpu.memref_squeeze %dma_wait3A_560 : memref<1x1x128xf32, #tpu.memory_space<hbm>> -> memref<128xf32, #tpu.memory_space<hbm>>
    %dma_wait3A_562 = arith.constant 0 : i32
    %dma_wait3A_563 = tpu.memref_slice %arg6[%dma_wait3A_551, %dma_wait3A_562] : memref<8x128xf32, #tpu.memory_space<vmem>> -> memref<1x128xf32, #tpu.memory_space<vmem>>
    %dma_wait3A_564 = tpu.memref_squeeze %dma_wait3A_563 : memref<1x128xf32, #tpu.memory_space<vmem>> -> memref<128xf32, #tpu.memory_space<vmem>>
    tpu.wait_dma2 semaphore(%arg27 : memref<!tpu.dma_semaphore, #tpu.memory_space<semaphore_mem>>) src(%dma_wait3A_564 : memref<128xf32, #tpu.memory_space<vmem>>) dst(%dma_wait3A_561 : memref<128xf32, #tpu.memory_space<hbm>>)
    %dma_wait3A_565 = arith.constant 5 : i32
    %dma_wait3A_566 = arith.constant 5 : i32
    %dma_wait3A_567 = arith.constant 0 : i32
    %dma_wait3A_568 = tpu.memref_slice %arg6[%dma_wait3A_565, %dma_wait3A_567] : memref<8x128xf32, #tpu.memory_space<vmem>> -> memref<1x128xf32, #tpu.memory_space<vmem>>
    %dma_wait3A_569 = tpu.memref_squeeze %dma_wait3A_568 : memref<1x128xf32, #tpu.memory_space<vmem>> -> memref<128xf32, #tpu.memory_space<vmem>>
    %dma_wait3A_570 = arith.constant 0 : i32
    %dma_wait3A_571 = tpu.memref_slice %arg4[%add3A, %dma_wait3A_566, %dma_wait3A_570] : memref<16x8x128xf32, #tpu.memory_space<hbm>> -> memref<1x1x128xf32, #tpu.memory_space<hbm>>
    %dma_wait3A_572 = tpu.memref_squeeze %dma_wait3A_571 : memref<1x1x128xf32, #tpu.memory_space<hbm>> -> memref<128xf32, #tpu.memory_space<hbm>>
    %dma_wait3A_573 = arith.constant 0 : i32
    %dma_wait3A_574 = tpu.memref_slice %arg4[%add3A, %dma_wait3A_566, %dma_wait3A_573] : memref<16x8x128xf32, #tpu.memory_space<hbm>> -> memref<1x1x128xf32, #tpu.memory_space<hbm>>
    %dma_wait3A_575 = tpu.memref_squeeze %dma_wait3A_574 : memref<1x1x128xf32, #tpu.memory_space<hbm>> -> memref<128xf32, #tpu.memory_space<hbm>>
    %dma_wait3A_576 = arith.constant 0 : i32
    %dma_wait3A_577 = tpu.memref_slice %arg6[%dma_wait3A_565, %dma_wait3A_576] : memref<8x128xf32, #tpu.memory_space<vmem>> -> memref<1x128xf32, #tpu.memory_space<vmem>>
    %dma_wait3A_578 = tpu.memref_squeeze %dma_wait3A_577 : memref<1x128xf32, #tpu.memory_space<vmem>> -> memref<128xf32, #tpu.memory_space<vmem>>
    tpu.wait_dma2 semaphore(%arg28 : memref<!tpu.dma_semaphore, #tpu.memory_space<semaphore_mem>>) src(%dma_wait3A_578 : memref<128xf32, #tpu.memory_space<vmem>>) dst(%dma_wait3A_575 : memref<128xf32, #tpu.memory_space<hbm>>)
    %dma_wait3A_579 = arith.constant 6 : i32
    %dma_wait3A_580 = arith.constant 6 : i32
    %dma_wait3A_581 = arith.constant 0 : i32
    %dma_wait3A_582 = tpu.memref_slice %arg6[%dma_wait3A_579, %dma_wait3A_581] : memref<8x128xf32, #tpu.memory_space<vmem>> -> memref<1x128xf32, #tpu.memory_space<vmem>>
    %dma_wait3A_583 = tpu.memref_squeeze %dma_wait3A_582 : memref<1x128xf32, #tpu.memory_space<vmem>> -> memref<128xf32, #tpu.memory_space<vmem>>
    %dma_wait3A_584 = arith.constant 0 : i32
    %dma_wait3A_585 = tpu.memref_slice %arg4[%add3A, %dma_wait3A_580, %dma_wait3A_584] : memref<16x8x128xf32, #tpu.memory_space<hbm>> -> memref<1x1x128xf32, #tpu.memory_space<hbm>>
    %dma_wait3A_586 = tpu.memref_squeeze %dma_wait3A_585 : memref<1x1x128xf32, #tpu.memory_space<hbm>> -> memref<128xf32, #tpu.memory_space<hbm>>
    %dma_wait3A_587 = arith.constant 0 : i32
    %dma_wait3A_588 = tpu.memref_slice %arg4[%add3A, %dma_wait3A_580, %dma_wait3A_587] : memref<16x8x128xf32, #tpu.memory_space<hbm>> -> memref<1x1x128xf32, #tpu.memory_space<hbm>>
    %dma_wait3A_589 = tpu.memref_squeeze %dma_wait3A_588 : memref<1x1x128xf32, #tpu.memory_space<hbm>> -> memref<128xf32, #tpu.memory_space<hbm>>
    %dma_wait3A_590 = arith.constant 0 : i32
    %dma_wait3A_591 = tpu.memref_slice %arg6[%dma_wait3A_579, %dma_wait3A_590] : memref<8x128xf32, #tpu.memory_space<vmem>> -> memref<1x128xf32, #tpu.memory_space<vmem>>
    %dma_wait3A_592 = tpu.memref_squeeze %dma_wait3A_591 : memref<1x128xf32, #tpu.memory_space<vmem>> -> memref<128xf32, #tpu.memory_space<vmem>>
    tpu.wait_dma2 semaphore(%arg29 : memref<!tpu.dma_semaphore, #tpu.memory_space<semaphore_mem>>) src(%dma_wait3A_592 : memref<128xf32, #tpu.memory_space<vmem>>) dst(%dma_wait3A_589 : memref<128xf32, #tpu.memory_space<hbm>>)
    %dma_wait3A_593 = arith.constant 7 : i32
    %dma_wait3A_594 = arith.constant 7 : i32
    %dma_wait3A_595 = arith.constant 0 : i32
    %dma_wait3A_596 = tpu.memref_slice %arg6[%dma_wait3A_593, %dma_wait3A_595] : memref<8x128xf32, #tpu.memory_space<vmem>> -> memref<1x128xf32, #tpu.memory_space<vmem>>
    %dma_wait3A_597 = tpu.memref_squeeze %dma_wait3A_596 : memref<1x128xf32, #tpu.memory_space<vmem>> -> memref<128xf32, #tpu.memory_space<vmem>>
    %dma_wait3A_598 = arith.constant 0 : i32
    %dma_wait3A_599 = tpu.memref_slice %arg4[%add3A, %dma_wait3A_594, %dma_wait3A_598] : memref<16x8x128xf32, #tpu.memory_space<hbm>> -> memref<1x1x128xf32, #tpu.memory_space<hbm>>
    %dma_wait3A_600 = tpu.memref_squeeze %dma_wait3A_599 : memref<1x1x128xf32, #tpu.memory_space<hbm>> -> memref<128xf32, #tpu.memory_space<hbm>>
    %dma_wait3A_601 = arith.constant 0 : i32
    %dma_wait3A_602 = tpu.memref_slice %arg4[%add3A, %dma_wait3A_594, %dma_wait3A_601] : memref<16x8x128xf32, #tpu.memory_space<hbm>> -> memref<1x1x128xf32, #tpu.memory_space<hbm>>
    %dma_wait3A_603 = tpu.memref_squeeze %dma_wait3A_602 : memref<1x1x128xf32, #tpu.memory_space<hbm>> -> memref<128xf32, #tpu.memory_space<hbm>>
    %dma_wait3A_604 = arith.constant 0 : i32
    %dma_wait3A_605 = tpu.memref_slice %arg6[%dma_wait3A_593, %dma_wait3A_604] : memref<8x128xf32, #tpu.memory_space<vmem>> -> memref<1x128xf32, #tpu.memory_space<vmem>>
    %dma_wait3A_606 = tpu.memref_squeeze %dma_wait3A_605 : memref<1x128xf32, #tpu.memory_space<vmem>> -> memref<128xf32, #tpu.memory_space<vmem>>
    tpu.wait_dma2 semaphore(%arg30 : memref<!tpu.dma_semaphore, #tpu.memory_space<semaphore_mem>>) src(%dma_wait3A_606 : memref<128xf32, #tpu.memory_space<vmem>>) dst(%dma_wait3A_603 : memref<128xf32, #tpu.memory_space<hbm>>)
    return
  }
}

</mosaic_0001>

<sc_bundles>
// kernel: _sc_gather.3.cloned.1.call-start
scs
__scs_entry_jumppad:
0x0: {  	(pc) =	sbr.rel $0x88, $3  }
0x1: {  	(tag) =	ssettag $0x0;
	lr =	simm.s32 $0x1  }
0x2: {  	[smem:$0x3F9F] =	sst lr;
	_ =	strace $0xD0000000  }
0x3: {  	_ = 	snop  }
0x4: {  	_ = 	snop  }
0x5: {  	_ = 	snop  }
0x6: {  	_ = 	snop  }
0x7: {  	_ = 	snop  }
__scs_overlays_trampoline_lowered:
0x8: {  	[smem:$0x3FAE] =	sst s0  }
0x9: {  	[smem:$0x3FAF] =	sst s1  }
0xa: {  	[smem:$0x3FB0] =	sst s2  }
0xb: {  	[smem:$0x3FB1] =	sst s3  }
0xc: {  	[smem:$0x3FB2] =	sst s4  }
0xd: {  	[smem:$0x3FB3] =	sst s5  }
0xe: {  	[smem:$0x3FB4] =	sst s6  }
0xf: {  	[smem:$0x3FB5] =	sst s7  }
0x10: {  	[smem:$0x3FB6] =	sst s8  }
0x11: {  	[smem:$0x3FB7] =	sst s9;
	s0 =	simm.s32 @!p0 $0x0  }
0x12: {  	s1 =	sld [smem:$0x3F9D];
	s0 =	simm.s32 @p0 $0x1  }
0x13: {  	[smem:$0x3FB8] =	sst s0;
	s0 =	simm.s32 @!p1 $0x0  }
0x14: {  	s2 =	sld [smem:$0x3F9C];
	s0 =	simm.s32 @p1 $0x1  }
0x15: {  	[smem:$0x3FB9] =	sst s0;
	s0 =	simm.s32 @!p2 $0x0  }
0x16: {  	s3 =	sld [smem:$0x3FDB];
	s0 =	simm.s32 @p2 $0x1  }
0x17: {  	s4 =	simm.s32 $0x1BF5;
	[smem:$0x3FBB] =	sst s0  }
0x18: {  	s0 =	sld [smem:$0x3F9E];
	_ =	swait.ge [sflag:s4], $0x0  }
0x19: {  	s7 =	sld [smem:$0x3F9F]  }
0x1a: {  	s8 =	sadd.s32 $0xFFFFE003, lr  }
0x1b: {  	s9 =	sadd.s32 $0xFFFFFEF7, lr;
	s5 =	simm.s32 $0xFFFFFFFF;
	p2 =	slt.u32 s8, $0xFFFFF086  }
0x1c: {  	p1 =	slt.u32 s9, $0xF7A;
	s5 =	simm.s32 @!p2 $0x0  }
0x1d: {  	s5 =	simm.s32 @p1 $0x1;
	p0 =	seq.s32 s7, s2  }
0x1e: {  	s7 =	smul.u32 @!p0 $0xF7A, s2;
	p2 =	seq.s32 @!p0 s5, $0x0  }
0x1f: {  	s9 =	smul.u32 $0xF7A, s1;
	s8 =	simm.s32 @!p0 $0x1BF5;
	p2 =	por !p2, p0  }
0x20: {  	[sflag:s8] =	ssyncset.s32 @!p0 $0xFFFFF086;
	s6 =	sadd.s32 @!p0 s3, s7;
	s7 =	simm.s32 @!p0 $0x108  }
0x21: {  	s3 =	sadd.s32 s3, s9;
	s6 =	sadd.s32 @!p0 $0x88, s6;
	s7 =	simm.s32 @p2 $0x1082  }
0x22: {  	[simem:s7], [sflag:s8] =	dma.local @!p0 [hbm:s6], $0xF7A  }
0x23: {  	s9 =	sor.u32 $0xD0000000, s2;
	s6 =	simm.s32 $0x108;
	_ =	swait.ge @!p0 [sflag:s8], $0x0  }
0x24: {  	s3 =	sadd.s32 $0x88, s3;
	s6 =	simm.s32 @!p1 $0x1082;
	[sflag:s4] =	ssyncset.s32 $0xFFFFF086  }
0x25: {  	[simem:s6], [sflag:s4] =	dma.local [hbm:s3], $0xF7A  }
0x26: {  	[smem:$0x3F9F] =	sst s1;
	(tag) =	ssettag s2;
	_ =	strace s9  }
0x27: {  	s1 =	sld [smem:$0x3FAF]  }
0x28: {  	s2 =	sld [smem:$0x3FB0]  }
0x29: {  	s4 =	sld [smem:$0x3FB2]  }
0x2a: {  	p0 =	seq.s32 s5, $0x0;
	s5 =	sld [smem:$0x3FB3]  }
0x2b: {  	s6 =	sld [smem:$0x3FB4]  }
0x2c: {  	s7 =	sld [smem:$0x3FB5]  }
0x2d: {  	s3 =	simm.s32 $0x108;
	s8 =	sld [smem:$0x3FB6]  }
0x2e: {  	s3 =	simm.s32 @!p0 $0x1082;
	s9 =	sld [smem:$0x3FB7]  }
0x2f: {  	lr =	sadd.s32 s0, s3;
	s0 =	sld [smem:$0x3FAE]  }
0x30: {  	s3 =	sld [smem:$0x3FB1]  }
0x31: {  	[smem:$0x3FBA] =	sst s10  }
0x32: {  	s10 =	sld [smem:$0x3FB8];
	_ =	sdelay $0x3  }
0x33: {  	p0 =	seq.s32 s10, $0x1;
	s10 =	sld [smem:$0x3FBA];
	_ =	sdelay $0x3  }
0x34: {  	[smem:$0x3FBA] =	sst s10  }
0x35: {  	s10 =	sld [smem:$0x3FB9];
	_ =	sdelay $0x3  }
0x36: {  	p1 =	seq.s32 s10, $0x1;
	s10 =	sld [smem:$0x3FBA];
	_ =	sdelay $0x3  }
0x37: {  	[smem:$0x3FBA] =	sst s10  }
0x38: {  	s10 =	sld [smem:$0x3FBB]  }
0x39: {  	_ = 	snop;
	(pc) =	sbr.ind lr, $3  }
0x3a: {  	_ = 	snop  }
0x3b: {  	_ = 	snop  }
0x3c: {  	p2 =	seq.s32 s10, $0x1;
	s10 =	sld [smem:$0x3FBA]  }
0x3d: {  	_ =	shalt  }
0x3e: {  	_ =	shalt  }
0x3f: {  	_ =	shalt  }
0x40: {  	_ =	shalt  }
0x41: {  	_ =	shalt  }
0x42: {  	_ =	shalt  }
0x43: {  	_ =	shalt  }
0x44: {  	_ =	shalt  }
0x45: {  	_ =	shalt  }
0x46: {  	_ =	shalt  }
0x47: {  	_ =	shalt  }
0x48: {  	_ =	shalt  }
0x49: {  	_ =	shalt  }
0x4a: {  	_ =	shalt  }
0x4b: {  	_ =	shalt  }
0x4c: {  	_ =	shalt  }
0x4d: {  	_ =	shalt  }
0x4e: {  	_ =	shalt  }
0x4f: {  	_ =	shalt  }
0x50: {  	_ =	shalt  }
0x51: {  	_ =	shalt  }
0x52: {  	_ =	shalt  }
0x53: {  	_ =	shalt  }
0x54: {  	_ =	shalt  }
0x55: {  	_ =	shalt  }
0x56: {  	_ =	shalt  }
0x57: {  	_ =	shalt  }
0x58: {  	_ =	shalt  }
0x59: {  	_ =	shalt  }
0x5a: {  	_ =	shalt  }
0x5b: {  	_ =	shalt  }
0x5c: {  	_ =	shalt  }
0x5d: {  	_ =	shalt  }
0x5e: {  	_ =	shalt  }
0x5f: {  	_ =	shalt  }
0x60: {  	_ =	shalt  }
0x61: {  	_ =	shalt  }
0x62: {  	_ =	shalt  }
0x63: {  	_ =	shalt  }
0x64: {  	_ =	shalt  }
0x65: {  	_ =	shalt  }
0x66: {  	_ =	shalt  }
0x67: {  	_ =	shalt  }
0x68: {  	_ =	shalt  }
0x69: {  	_ =	shalt  }
0x6a: {  	_ =	shalt  }
0x6b: {  	_ =	shalt  }
0x6c: {  	_ =	shalt  }
0x6d: {  	_ =	shalt  }
0x6e: {  	_ =	shalt  }
0x6f: {  	_ =	shalt  }
0x70: {  	_ =	shalt  }
0x71: {  	_ =	shalt  }
0x72: {  	_ =	shalt  }
0x73: {  	_ =	shalt  }
0x74: {  	_ =	shalt  }
0x75: {  	_ =	shalt  }
0x76: {  	_ =	shalt  }
0x77: {  	_ =	shalt  }
0x78: {  	_ =	shalt  }
0x79: {  	_ =	shalt  }
0x7a: {  	_ =	shalt  }
0x7b: {  	_ =	shalt  }
0x7c: {  	_ =	shalt  }
0x7d: {  	_ =	shalt  }
0x7e: {  	_ =	shalt  }
0x7f: {  	_ =	shalt  }
0x80: {  	_ =	shalt  }
0x81: {  	_ =	shalt  }
0x82: {  	_ =	shalt  }
0x83: {  	_ =	shalt  }
0x84: {  	_ =	shalt  }
0x85: {  	_ =	shalt  }
0x86: {  	_ =	shalt  }
0x87: {  	_ =	shalt  }
.Lfunc_end0:
.L_simem_size_0:
called_computation_lowered:
.L_overlay_start_0:
0x88: {  	s0 =	sld [smem:$0x3FD9]  }
0x89: {  	s1 =	sld [smem:$0x3FFE];
	_ =	sdelay $0x3  }
0x8a: {  	s0 =	sadd.s32 s1, s0  }
0x8b: {  	[smem:$0x3FC6] =	sst s0  }
0x8c: {  	_ = 	snop  }
0x8d: {  	s0 =	sld [smem:$0x3FC9]  }
0x8e: {  	s17 =	sld [smem:$0x3FC8]  }
0x8f: {  	s2 =	sld [smem:$0x3FD0];
	(tm) =	ssettm $0x1  }
0x90: {  	s3 =	sld [smem:$0x3FFB];
	_ =	sdelay $0x3  }
0x91: {  	_ =	strace s3  }
0x92: {  	s3 =	sld [smem:$0x3FFC];
	_ =	sdelay $0x3  }
0x93: {  	_ =	strace s3  }
0x94: {  	s3 =	sld [smem:$0x3FFD];
	_ =	sdelay $0x3  }
0x95: {  	_ =	strace s3  }
0x96: {  	_ =	strace $0x8FFFFFFF  }
0x97: {  	s18 =	sld [smem:$0x3FDB];
	_ =	sdelay $0x1  }
0x98: {  	s4 =	simm.s32 $_scs_section_size  }
0x99: {  	s5 =	simm.s32 $_size__tile_overlayer_lowered;
	s6 =	simm.s32 $_tile_overlayer_lowered  }
0x9a: {  	s21 =	simm.s32 $0x1BFF;
	s20 =	sshll.u32 s6, $0x1;
	s3 =	sadd.s32 s4, s18  }
0x9b: {  	s7 =	simm.s32 $0x0;
	s19 =	sshll.u32 s5, $0x1;
	s5 =	sadd.s32 s20, s3  }
0x9c: {  	[timem:s7], [sflag:s21] =	dma.local [hbm:s5], s19  }
0x9d: {  	_ =	swait.ge [sflag:s21], s19  }
0x9e: {  	s4 =	ssub.s32 $0x0, s19;
	[sflag:s21] =	ssyncset.done $0x0  }
0x9f: {  	[sflag:s21] =	ssyncadd.s32 s4;
	_ =	sdelay $0x1  }
0xa0: {  	s22 =	simm.s32 $0x1B8B  }
0xa1: {  	_ =	swait.ge [sflag:s22], $0x1  }
0xa2: {  	[sflag:s22] =	ssyncset.done $0x0  }
0xa3: {  	s23 =	simm.s32 $0x1B8E;
	[sflag:s22] =	ssyncadd.s32 $0xFFFFFFFF  }
0xa4: {  	s24 =	simm.s32 $execute0_lowered;
	[smem:$0x3FD2] =	sst s23  }
0xa5: {  	s4 =	sshll.u32 s24, $0x1;
	_ =	strace $0x80000046;
	[dreg:$0x1] =	wrdreg $0xFFFFFFFF  }
0xa6: {  	s25 =	simm.s32 $_size_execute0_lowered;
	s3 =	sadd.s32 s3, s4;
	[dreg:$0x0] =	wrdreg $0x0  }
0xa7: {  	s4 =	sshll.u32 s25, $0x1;
	[dreg:$0x2] =	wrdreg s3  }
0xa8: {  	[dreg:$0x3] =	wrdreg s4  }
0xa9: {  	[dreg:$0x4] =	wrdreg $0xC0  }
0xaa: {  	_ =	task [dreg:s7], $0x5FFFF  }
0xab: {  	[dreg:$0x1] =	wrdreg $0xFFFFFFFF  }
0xac: {  	[dreg:$0x0] =	wrdreg $0x60  }
0xad: {  	[dreg:$0x2] =	wrdreg s0  }
0xae: {  	[dreg:$0x3] =	wrdreg s17  }
0xaf: {  	[dreg:$0x4] =	wrdreg s2  }
0xb0: {  	[dreg:$0x5] =	wrdreg $0x9  }
0xb1: {  	_ =	task.clear_ibuf [dreg:s7], $0x6FFFF;
	_ =	strace $0x90000046  }
0xb2: {  	s26 =	simm.s32 $0x9;
	_ =	strace $0x80000048  }
0xb3: {  	_ =	swait.ge [sflag:s26], $0x1  }
0xb4: {  	[sflag:s26] =	ssyncadd.s32 $0xFFFFFFFF  }
0xb5: {  	_ =	strace $0x90000048  }
0xb6: {  	_ =	sfence  }
0xb7: {  	s28 =	sld [smem:$0x0];
	_ =	sdelay $0x1  }
0xb8: {  	s29 =	srdreg.scid  }
0xb9: {  	s30 =	sshll.u32 s29, $0xD;
	s31 =	sshrl.u32 s29, $0x2  }
0xba: {  	s1 =	sand.u32 $0x1, s29;
	s2 =	sand.u32 $0x4000, s30;
	s0 =	sadd.s32 s31, s28  }
0xbb: {  	s1 =	sor.u32 s2, s1;
	s0 =	sshll.u32 s0, $0x11  }
0xbc: {  	s0 =	sor.u32 s0, s1  }
0xbd: {  	s0 =	sadd.s32 $0x8F2B, s0  }
0xbe: {  	[sflag:s0] =	ssyncadd.remote.s32 $0x1  }
0xbf: {  	_ =	sfence.sel $0xFFFF  }
0xc0: {  	[dreg:$0x0] =	wrdreg $0xFFFFFFFF;
	(pc) =	sbr.abs _section_cstart, $3  }
0xc1: {  	[dreg:$0x1] =	wrdreg $0xFFFFFFFF  }
0xc2: {  	_ =	task.clear_ibuf [dreg:s7], $0x2FFFF;
	_ =	strace $0x9FFFFFFF  }
0xc3: {  	(tm) =	ssettm $0x7FFFFFFF  }
tec
execute0_lowered:
.L_overlay_start_1:
0x0: {  	(tag) =	ssettag $0x1  }
0x1: {  	s10 =	rddreg [dreg:$0x0]  }
0x2: {  	s14 =	rddreg [dreg:$0x1]  }
0x3: {  	s2 =	rddreg [dreg:$0x2]  }
0x4: {  	s0 =	rddreg [dreg:$0x3];
	s3 =	simm.s32 $0x0;
	s1 =	stileid.u32  }
0x5: {  	[smem:$0x7FF] =	sst s3;
	s12 =	sshll.u32 s1, $0x7  }
0x6: {  	_ =	strace $0x80000047;
	s4 =	sadd.s32 s14, s12;
	s11 =	sor.u32 $0x10, s12  }
0x7: {  	[tilespmem:s3], [sflag:$0x1] =	stream.linear.gather [hbm4b:s4+s3], $0x80, $0x38;
	[tilespmem:$0x800] =	vst v63  }
0x8: {  	s13 =	simm.s32 $0x80;
	s9 =	sor.u32 $0x20, s12;
	s23 =	sadd.s32 s14, s11  }
0x9: {  	[tilespmem:s13], [sflag:$0x2] =	stream.linear.gather [hbm4b:s23+s3], $0x80, $0x38;
	[tilespmem:$0x800] =	vst v63  }
0xa: {  	s15 =	simm.s32 $0x100;
	s8 =	sor.u32 $0x30, s12;
	s24 =	sadd.s32 s14, s9  }
0xb: {  	[tilespmem:s15], [sflag:$0x3] =	stream.linear.gather [hbm4b:s24+s3], $0x80, $0x38;
	[tilespmem:$0x800] =	vst v63  }
0xc: {  	s16 =	simm.s32 $0x180;
	s7 =	sor.u32 $0x40, s12;
	s25 =	sadd.s32 s14, s8  }
0xd: {  	[tilespmem:s16], [sflag:$0x4] =	stream.linear.gather [hbm4b:s25+s3], $0x80, $0x38;
	[tilespmem:$0x800] =	vst v63  }
0xe: {  	s17 =	simm.s32 $0x200;
	s6 =	sor.u32 $0x50, s12;
	s26 =	sadd.s32 s14, s7  }
0xf: {  	[tilespmem:s17], [sflag:$0x5] =	stream.linear.gather [hbm4b:s26+s3], $0x80, $0x38;
	[tilespmem:$0x800] =	vst v63  }
0x10: {  	s18 =	simm.s32 $0x280;
	s5 =	sor.u32 $0x60, s12;
	s28 =	sadd.s32 s14, s6  }
0x11: {  	[tilespmem:s18], [sflag:$0x6] =	stream.linear.gather [hbm4b:s28+s3], $0x80, $0x38;
	[tilespmem:$0x800] =	vst v63  }
0x12: {  	s20 =	simm.s32 $0x300;
	s19 =	sadd.s32 s14, s5;
	s4 =	sor.u32 $0x70, s12  }
0x13: {  	[tilespmem:s20], [sflag:$0x7] =	stream.linear.gather [hbm4b:s19+s3], $0x80, $0x38;
	[tilespmem:$0x800] =	vst v63  }
0x14: {  	s29 =	simm.s32 $0x1;
	s14 =	sadd.s32 s14, s4;
	s19 =	simm.s32 $0x380  }
0x15: {  	[tilespmem:s19], [sflag:$0x8] =	stream.linear.gather [hbm4b:s14+s3], $0x80, $0x38;
	[tilespmem:$0x800] =	vst v63  }
0x16: {  	_ =	swait.ge [sflag:s29], $0x80  }
0x17: {  	[sflag:s29] =	ssyncset.done $0x0  }
0x18: {  	s21 =	simm.s32 $0x2;
	s14 =	simm.s32 $0x400;
	[sflag:s29] =	ssyncadd.s32 $0xFFFFFF80  }
0x19: {  	[tilespmem:s14], [sflag:$0x9] =	stream.indirect.gather [hbm4b:s10+s13], $0x1, s3, s13, $0xb8;
	[tilespmem:$0x800] =	vst v63  }
0x1a: {  	_ =	swait.ge [sflag:s21], $0x80  }
0x1b: {  	[sflag:s21] =	ssyncset.done $0x0  }
0x1c: {  	s22 =	simm.s32 $0x3;
	[sflag:s21] =	ssyncadd.s32 $0xFFFFFF80;
	s21 =	simm.s32 $0x480  }
0x1d: {  	[tilespmem:s21], [sflag:$0xA] =	stream.indirect.gather [hbm4b:s10+s13], $0x1, s13, s13, $0xb8;
	[tilespmem:$0x800] =	vst v63  }
0x1e: {  	_ =	swait.ge [sflag:s22], $0x80  }
0x1f: {  	[sflag:s22] =	ssyncset.done $0x0  }
0x20: {  	s30 =	simm.s32 $0x4;
	[sflag:s22] =	ssyncadd.s32 $0xFFFFFF80;
	s22 =	simm.s32 $0x500  }
0x21: {  	[tilespmem:s22], [sflag:$0xB] =	stream.indirect.gather [hbm4b:s10+s13], $0x1, s15, s13, $0xb8;
	[tilespmem:$0x800] =	vst v63  }
0x22: {  	_ =	swait.ge [sflag:s30], $0x80  }
0x23: {  	[sflag:s30] =	ssyncset.done $0x0  }
0x24: {  	s31 =	simm.s32 $0x5;
	s15 =	simm.s32 $0x580;
	[sflag:s30] =	ssyncadd.s32 $0xFFFFFF80  }
0x25: {  	[tilespmem:s15], [sflag:$0xC] =	stream.indirect.gather [hbm4b:s10+s13], $0x1, s16, s13, $0xb8;
	[tilespmem:$0x800] =	vst v63  }
0x26: {  	_ =	swait.ge [sflag:s31], $0x80  }
0x27: {  	[sflag:s31] =	ssyncset.done $0x0  }
0x28: {  	s23 =	simm.s32 $0x600;
	s24 =	simm.s32 $0x6;
	[sflag:s31] =	ssyncadd.s32 $0xFFFFFF80  }
0x29: {  	[tilespmem:s23], [sflag:$0xD] =	stream.indirect.gather [hbm4b:s10+s13], $0x1, s17, s13, $0xb8;
	[tilespmem:$0x800] =	vst v63  }
0x2a: {  	_ =	swait.ge [sflag:s24], $0x80  }
0x2b: {  	[sflag:s24] =	ssyncset.done $0x0  }
0x2c: {  	s25 =	simm.s32 $0x680;
	s26 =	simm.s32 $0x7;
	[sflag:s24] =	ssyncadd.s32 $0xFFFFFF80  }
0x2d: {  	[tilespmem:s25], [sflag:$0xE] =	stream.indirect.gather [hbm4b:s10+s13], $0x1, s18, s13, $0xb8;
	[tilespmem:$0x800] =	vst v63  }
0x2e: {  	_ =	swait.ge [sflag:s26], $0x80  }
0x2f: {  	[sflag:s26] =	ssyncset.done $0x0  }
0x30: {  	s28 =	simm.s32 $0x700;
	s29 =	simm.s32 $0x8;
	[sflag:s26] =	ssyncadd.s32 $0xFFFFFF80  }
0x31: {  	[tilespmem:s28], [sflag:$0xF] =	stream.indirect.gather [hbm4b:s10+s13], $0x1, s20, s13, $0xb8;
	[tilespmem:$0x800] =	vst v63  }
0x32: {  	_ =	swait.ge [sflag:s29], $0x80  }
0x33: {  	[sflag:s29] =	ssyncset.done $0x0  }
0x34: {  	s30 =	simm.s32 $0x780;
	s31 =	simm.s32 $0x9;
	[sflag:s29] =	ssyncadd.s32 $0xFFFFFF80  }
0x35: {  	[tilespmem:s30], [sflag:$0x10] =	stream.indirect.gather [hbm4b:s10+s13], $0x1, s19, s13, $0xb8;
	[tilespmem:$0x800] =	vst v63  }
0x36: {  	_ =	swait.ge [sflag:s31], $0x80  }
0x37: {  	[sflag:s31] =	ssyncset.done $0x0  }
0x38: {  	s12 =	sadd.s32 s2, s12;
	[sflag:s31] =	ssyncadd.s32 $0xFFFFFF80  }
0x39: {  	[hbm4b:s12+s3] =	stream.linear.scatter [tilespmem:s14], [sflag:$0x11], $0x80, $0x38;
	[tilespmem:$0x800] =	vst v63  }
0x3a: {  	s12 =	simm.s32 $0xA  }
0x3b: {  	_ =	swait.ge [sflag:s12], $0x80  }
0x3c: {  	[sflag:s12] =	ssyncset.done $0x0  }
0x3d: {  	s11 =	sadd.s32 s2, s11;
	s13 =	simm.s32 $0xB;
	[sflag:s12] =	ssyncadd.s32 $0xFFFFFF80  }
0x3e: {  	[hbm4b:s11+s3] =	stream.linear.scatter [tilespmem:s21], [sflag:$0x12], $0x80, $0x38;
	[tilespmem:$0x800] =	vst v63  }
0x3f: {  	_ =	swait.ge [sflag:s13], $0x80  }
0x40: {  	[sflag:s13] =	ssyncset.done $0x0  }
0x41: {  	s9 =	sadd.s32 s2, s9;
	s14 =	simm.s32 $0xC;
	[sflag:s13] =	ssyncadd.s32 $0xFFFFFF80  }
0x42: {  	[hbm4b:s9+s3] =	stream.linear.scatter [tilespmem:s22], [sflag:$0x13], $0x80, $0x38;
	[tilespmem:$0x800] =	vst v63  }
0x43: {  	_ =	swait.ge [sflag:s14], $0x80  }
0x44: {  	[sflag:s14] =	ssyncset.done $0x0  }
0x45: {  	s8 =	sadd.s32 s2, s8;
	[sflag:s14] =	ssyncadd.s32 $0xFFFFFF80  }
0x46: {  	[hbm4b:s8+s3] =	stream.linear.scatter [tilespmem:s15], [sflag:$0x14], $0x80, $0x38;
	[tilespmem:$0x800] =	vst v63  }
0x47: {  	s15 =	simm.s32 $0xD  }
0x48: {  	_ =	swait.ge [sflag:s15], $0x80  }
0x49: {  	[sflag:s15] =	ssyncset.done $0x0  }
0x4a: {  	s7 =	sadd.s32 s2, s7;
	s19 =	simm.s32 $0xE;
	[sflag:s15] =	ssyncadd.s32 $0xFFFFFF80  }
0x4b: {  	[hbm4b:s7+s3] =	stream.linear.scatter [tilespmem:s23], [sflag:$0x15], $0x80, $0x38;
	[tilespmem:$0x800] =	vst v63  }
0x4c: {  	_ =	swait.ge [sflag:s19], $0x80  }
0x4d: {  	[sflag:s19] =	ssyncset.done $0x0  }
0x4e: {  	s6 =	sadd.s32 s2, s6;
	s21 =	simm.s32 $0xF;
	[sflag:s19] =	ssyncadd.s32 $0xFFFFFF80  }
0x4f: {  	[hbm4b:s6+s3] =	stream.linear.scatter [tilespmem:s25], [sflag:$0x16], $0x80, $0x38;
	[tilespmem:$0x800] =	vst v63  }
0x50: {  	_ =	swait.ge [sflag:s21], $0x80  }
0x51: {  	[sflag:s21] =	ssyncset.done $0x0  }
0x52: {  	s5 =	sadd.s32 s2, s5;
	s22 =	simm.s32 $0x10;
	[sflag:s21] =	ssyncadd.s32 $0xFFFFFF80  }
0x53: {  	[hbm4b:s5+s3] =	stream.linear.scatter [tilespmem:s28], [sflag:$0x17], $0x80, $0x38;
	[tilespmem:$0x800] =	vst v63  }
0x54: {  	_ =	swait.ge [sflag:s22], $0x80  }
0x55: {  	[sflag:s22] =	ssyncset.done $0x0  }
0x56: {  	s2 =	sadd.s32 s2, s4;
	s23 =	simm.s32 $0x11;
	[sflag:s22] =	ssyncadd.s32 $0xFFFFFF80  }
0x57: {  	[hbm4b:s2+s3] =	stream.linear.scatter [tilespmem:s30], [sflag:$0x18], $0x80, $0x38;
	[tilespmem:$0x800] =	vst v63  }
0x58: {  	_ =	swait.ge [sflag:s23], $0x80  }
0x59: {  	[sflag:s23] =	ssyncset.done $0x0  }
0x5a: {  	s24 =	simm.s32 $0x12;
	[sflag:s23] =	ssyncadd.s32 $0xFFFFFF80  }
0x5b: {  	_ =	swait.ge [sflag:s24], $0x80  }
0x5c: {  	[sflag:s24] =	ssyncset.done $0x0  }
0x5d: {  	s25 =	simm.s32 $0x13;
	[sflag:s24] =	ssyncadd.s32 $0xFFFFFF80  }
0x5e: {  	_ =	swait.ge [sflag:s25], $0x80  }
0x5f: {  	[sflag:s25] =	ssyncset.done $0x0  }
0x60: {  	s26 =	simm.s32 $0x14;
	[sflag:s25] =	ssyncadd.s32 $0xFFFFFF80  }
0x61: {  	_ =	swait.ge [sflag:s26], $0x80  }
0x62: {  	[sflag:s26] =	ssyncset.done $0x0  }
0x63: {  	s28 =	simm.s32 $0x15;
	[sflag:s26] =	ssyncadd.s32 $0xFFFFFF80  }
0x64: {  	_ =	swait.ge [sflag:s28], $0x80  }
0x65: {  	[sflag:s28] =	ssyncset.done $0x0  }
0x66: {  	s29 =	simm.s32 $0x16;
	[sflag:s28] =	ssyncadd.s32 $0xFFFFFF80  }
0x67: {  	_ =	swait.ge [sflag:s29], $0x80  }
0x68: {  	[sflag:s29] =	ssyncset.done $0x0  }
0x69: {  	s30 =	simm.s32 $0x17;
	[sflag:s29] =	ssyncadd.s32 $0xFFFFFF80  }
0x6a: {  	_ =	swait.ge [sflag:s30], $0x80  }
0x6b: {  	[sflag:s30] =	ssyncset.done $0x0  }
0x6c: {  	s31 =	simm.s32 $0x18;
	[sflag:s30] =	ssyncadd.s32 $0xFFFFFF80  }
0x6d: {  	_ =	swait.ge [sflag:s31], $0x80  }
0x6e: {  	[sflag:s31] =	ssyncset.done $0x0  }
0x6f: {  	[sflag:s31] =	ssyncadd.s32 $0xFFFFFF80  }
0x70: {  	_ =	sfence.sel $0x180000  }
0x71: {  	[bflag:$0x0] =	sbarrier.arrive $0xFFFF  }
0x72: {  	p0 =	sne.s32 s1, $0x0;
	_ =	strace $0x90000047  }
0x73: {  	s0 =	sadd.s32 @!p0 $0x100000, s0;
	[bflag:$0x2] =	sbarrier.arrive $0xFFFF  }
0x74: {  	[sflag:s0] =	ssyncadd.tile.s32 @!p0 $0x1;
	_ =	shalt  }
.Lfunc_end2:
_tile_overlayer_lowered:
.L_overlay_start_2:
0x75: {  	(tag) =	ssettag $0x2  }
0x76: {  	s0 =	rddreg [dreg:$0x0];
	s2 =	stileid.u32  }
0x77: {  	s1 =	rddreg [dreg:$0x1];
	p0 =	sne.s32 s2, $0x0  }
0x78: {  	s3 =	rddreg [dreg:$0x2];
	[bflag:$0x3] =	sbarrier.arrive $0xFFFF;
	s2 =	simm.s32 @!p0 $0x1C19  }
0x79: {  	[timem:s3], [sflag:s2] =	dma.local @!p0 [hbm:s0], s1  }
0x7a: {  	s0 =	simm.s32 @!p0 $0x19  }
0x7b: {  	_ =	swait.ge @!p0 [sflag:s0], s1  }
0x7c: {  	s1 =	ssub.s32 @!p0 $0x0, s1;
	[sflag:s0] =	ssyncset.done @!p0 $0x0  }
0x7d: {  	[sflag:s0] =	ssyncadd.s32 @!p0 s1  }
0x7e: {  	[bflag:$0x3] =	sbarrier.arrive $0xFFFF  }
0x7f: {  	_ =	shalt  }

</sc_bundles>
